<compile_context>
chip_gen: v7x
topology: tpu7x:2x2x1
jax: 0.10.2.dev20260603
libtpu: 0.0.44.dev20260713+nightly
codegen_flags: <defaults>
</compile_context>

<pallas_src>
import functools

import jax
import jax.numpy as jnp
from jax import lax
from jax.experimental import pallas as pl
from jax.experimental.pallas import tpu as pltpu
from jax.experimental.pallas import tpu_sc as plsc

VOCAB = 1000000
EMBED_DIM = 32
B = 16384
L = 50

NUM_WORKERS = 32
ROWS_PER_WORKER = B // NUM_WORKERS

CHUNK_ROWS = 8
NCHUNKS = ROWS_PER_WORKER // CHUNK_ROWS


def _sc_gather_relu(idx, table):
    mesh = plsc.VectorSubcoreMesh(core_axis_name="c", subcore_axis_name="s")

    @functools.partial(
        pl.kernel,
        mesh=mesh,
        out_type=jax.ShapeDtypeStruct((B, L, EMBED_DIM), jnp.float32),
        scratch_types=[
            pltpu.VMEM((ROWS_PER_WORKER, L), jnp.int32),
            pltpu.VMEM((CHUNK_ROWS, L, EMBED_DIM), jnp.float32),
            pltpu.VMEM((CHUNK_ROWS, L, EMBED_DIM), jnp.float32),
            pltpu.VMEM((CHUNK_ROWS, L, EMBED_DIM), jnp.float32),
            pltpu.VMEM((CHUNK_ROWS, L, EMBED_DIM), jnp.float32),
            pltpu.SemaphoreType.DMA,
            pltpu.SemaphoreType.DMA,
            pltpu.SemaphoreType.DMA,
            pltpu.SemaphoreType.DMA,
        ],
        compiler_params=pltpu.CompilerParams(use_tc_tiling_on_sc=False),
    )
    def k(idx_hbm, table_hbm, out_hbm, idx_v, g0, g1, o0, o1,
          gs0, gs1, os0, os1):
        wid = lax.axis_index("c") * 16 + lax.axis_index("s")
        row_base = wid * ROWS_PER_WORKER

        gbuf = (g0, g1)
        obuf = (o0, o1)
        gsem = (gs0, gs1)
        osem = (os0, os1)

        pltpu.sync_copy(idx_hbm.at[pl.ds(row_base, ROWS_PER_WORKER)], idx_v)

        def fire_gather(g, b):
            for j in range(CHUNK_ROWS):
                pltpu.make_async_copy(
                    table_hbm.at[idx_v.at[g * CHUNK_ROWS + j]],
                    gbuf[b].at[j],
                    gsem[b],
                ).start()

        def wait_gather(b):
            for j in range(CHUNK_ROWS):
                pltpu.make_async_copy(
                    table_hbm.at[idx_v.at[j]],
                    gbuf[b].at[j],
                    gsem[b],
                ).wait()

        def relu_chunk(b):
            src = gbuf[b]
            dst = obuf[b]

            def body(r, c):
                for j in range(CHUNK_ROWS):
                    a0 = src[j, r, pl.ds(0, 16)]
                    a1 = src[j, r, pl.ds(16, 16)]
                    dst[j, r, pl.ds(0, 16)] = jnp.maximum(a0, 0.0)
                    dst[j, r, pl.ds(16, 16)] = jnp.maximum(a1, 0.0)
                return c

            lax.fori_loop(0, L, body, 0)

        def fire_out(g, b):
            pltpu.make_async_copy(
                obuf[b],
                out_hbm.at[pl.ds(row_base + g * CHUNK_ROWS, CHUNK_ROWS)],
                osem[b],
            ).start()

        def drain_out(b):
            pltpu.make_async_copy(
                obuf[b],
                out_hbm.at[pl.ds(row_base, CHUNK_ROWS)],
                osem[b],
            ).wait()

        fire_gather(0, 0)
        fire_gather(1, 1)

        def loop_body(i, carry):
            g = i * 2
            for b in (0, 1):
                wait_gather(b)

                @pl.when(g + b >= 2)
                def _():
                    drain_out(b)

                relu_chunk(b)
                fire_out(g + b, b)

                @pl.when(g + b + 2 < NCHUNKS)
                def _(b=b):
                    fire_gather(g + b + 2, b)

            return carry

        lax.fori_loop(0, NCHUNKS // 2, loop_body, 0)

        drain_out(0)
        drain_out(1)

    return k(idx, table)


def kernel(predicate_indices, embed_weight):
    return _sc_gather_relu(predicate_indices.astype(jnp.int32), embed_weight)

# --- scband reference (transcript-rebuilt; emitter-appended) ---
"""Pipeline reference for scband-predicate-embedding-58428735095222 (READ-ONLY COPY).

The authoritative reference and input builder live on the scoring server;
editing this copy changes nothing except your own understanding.
"""

import jax, jax.numpy as jnp
import numpy as np

VOCAB = 1000000
EMBED_DIM = 32
B = 16384
L = 50

def setup_inputs(seed: int = 0) -> dict:
    key = jax.random.key(seed)
    k_idx, k_w = jax.random.split(key)
    predicate_indices = jax.random.randint(k_idx, (B, L), 0, VOCAB, dtype=jnp.int64)
    # xavier_uniform init for embedding weight [VOCAB, EMBED_DIM]
    limit = float(np.sqrt(6.0 / (VOCAB + EMBED_DIM)))
    embed_weight = jax.random.uniform(k_w, (VOCAB, EMBED_DIM), dtype=jnp.float32, minval=-limit, maxval=limit)
    return {"predicate_indices": predicate_indices, "embed_weight": embed_weight}

def reference(predicate_indices, embed_weight):
    raw_embeds = jnp.take(embed_weight, predicate_indices, axis=0)
    embeds = jax.nn.relu(raw_embeds)
    return embeds

if __name__ == "__main__":
    import jax
    _d = setup_inputs()
    print(jax.jit(kernel)(*tuple(_d.values())))

</pallas_src>

<mosaic_0001>
#map = affine_map<(d0, d1) -> (0, 0)>
#map1 = affine_map<(d0, d1) -> (0, 0, 0)>
module attributes {stable_mosaic.version = 14 : i64} {
  func.func @k(%arg0: i32, %arg1: i32, %arg2: memref<16384x50xi32, #tpu.memory_space<hbm>>, %arg3: memref<1000000x32xf32, #tpu.memory_space<hbm>>, %arg4: memref<16384x50x32xf32, #tpu.memory_space<hbm>>, %arg5: memref<512x50xi32, #tpu.memory_space<vmem>>, %arg6: memref<8x50x32xf32, #tpu.memory_space<vmem>>, %arg7: memref<8x50x32xf32, #tpu.memory_space<vmem>>, %arg8: memref<8x50x32xf32, #tpu.memory_space<vmem>>, %arg9: memref<8x50x32xf32, #tpu.memory_space<vmem>>, %arg10: memref<!tpu.dma_semaphore, #tpu.memory_space<semaphore_mem>>, %arg11: memref<!tpu.dma_semaphore, #tpu.memory_space<semaphore_mem>>, %arg12: memref<!tpu.dma_semaphore, #tpu.memory_space<semaphore_mem>>, %arg13: memref<!tpu.dma_semaphore, #tpu.memory_space<semaphore_mem>>) attributes {dimension_semantics = [#tpu.dimension_semantics<core_parallel>, #tpu.dimension_semantics<subcore_parallel>], iteration_bounds = array<i64: 2, 16>, scalar_prefetch = 0 : i64, scratch_operands = 9 : i64, tpu.core_type = #tpu.core_type<sc_vector_subcore>, window_params = [{transform_indices = #map}, {transform_indices = #map}, {transform_indices = #map1}]} {
    %mul3A = arith.constant 16 : i32
    %mul3A_0 = arith.muli %arg0, %mul3A : i32
    %add3A = arith.addi %mul3A_0, %arg1 : i32
    %mul3A_1 = arith.constant 512 : i32
    %mul3A_2 = arith.muli %add3A, %mul3A_1 : i32
    "tpu.region"() ({
      %run_scoped3A = tpu.sem_alloc : memref<!tpu.dma_semaphore, #tpu.memory_space<semaphore_mem>>
      %dma_start3A_210 = arith.constant 0 : i32
      %dma_start3A_211 = tpu.memref_slice %arg2[%mul3A_2, %dma_start3A_210] : memref<16384x50xi32, #tpu.memory_space<hbm>> -> memref<512x50xi32, #tpu.memory_space<hbm>>
      %dma_start3A_212 = arith.constant 0 : i32
      %dma_start3A_213 = tpu.memref_slice %arg2[%mul3A_2, %dma_start3A_212] : memref<16384x50xi32, #tpu.memory_space<hbm>> -> memref<512x50xi32, #tpu.memory_space<hbm>>
      tpu.enqueue_dma source(%dma_start3A_213 : memref<512x50xi32, #tpu.memory_space<hbm>>) target(%arg5 : memref<512x50xi32, #tpu.memory_space<vmem>>) target_semaphore(%run_scoped3A : memref<!tpu.dma_semaphore, #tpu.memory_space<semaphore_mem>>)
      %dma_wait3A_214 = arith.constant 0 : i32
      %dma_wait3A_215 = tpu.memref_slice %arg2[%mul3A_2, %dma_wait3A_214] : memref<16384x50xi32, #tpu.memory_space<hbm>> -> memref<512x50xi32, #tpu.memory_space<hbm>>
      %dma_wait3A_216 = arith.constant 0 : i32
      %dma_wait3A_217 = tpu.memref_slice %arg2[%mul3A_2, %dma_wait3A_216] : memref<16384x50xi32, #tpu.memory_space<hbm>> -> memref<512x50xi32, #tpu.memory_space<hbm>>
      tpu.wait_dma2 semaphore(%run_scoped3A : memref<!tpu.dma_semaphore, #tpu.memory_space<semaphore_mem>>) src(%dma_wait3A_217 : memref<512x50xi32, #tpu.memory_space<hbm>>) dst(%arg5 : memref<512x50xi32, #tpu.memory_space<vmem>>)
      tpu.yield
    }) : () -> ()
    %dma_start3A = arith.constant 0 : i32
    %dma_start3A_3 = arith.constant 0 : i32
    %dma_start3A_4 = arith.constant 0 : i32
    %dma_start3A_5 = arith.constant 0 : i32
    %dma_start3A_6 = tpu.memref_slice %arg6[%dma_start3A_3, %dma_start3A_4, %dma_start3A_5] : memref<8x50x32xf32, #tpu.memory_space<vmem>> -> memref<1x50x32xf32, #tpu.memory_space<vmem>>
    %dma_start3A_7 = tpu.memref_squeeze %dma_start3A_6 : memref<1x50x32xf32, #tpu.memory_space<vmem>> -> memref<50x32xf32, #tpu.memory_space<vmem>>
    %dma_start3A_8 = arith.constant 0 : i32
    %dma_start3A_9 = tpu.memref_slice %arg5[%dma_start3A, %dma_start3A_8] : memref<512x50xi32, #tpu.memory_space<vmem>> -> memref<1x50xi32, #tpu.memory_space<vmem>>
    %dma_start3A_10 = tpu.memref_squeeze %dma_start3A_9 : memref<1x50xi32, #tpu.memory_space<vmem>> -> memref<50xi32, #tpu.memory_space<vmem>>
    %dma_start3A_11 = arith.constant 0 : i32
    %dma_start3A_12 = arith.constant 0 : i32
    %dma_start3A_13 = tpu.memref_slice %arg3[%dma_start3A_11, %dma_start3A_12] : memref<1000000x32xf32, #tpu.memory_space<hbm>> -> memref<1000000x32xf32, #tpu.memory_space<hbm>>
    tpu.enqueue_indirect_dma source(%dma_start3A_13 : memref<1000000x32xf32, #tpu.memory_space<hbm>>) target(%dma_start3A_7 : memref<50x32xf32, #tpu.memory_space<vmem>>) offsets(%dma_start3A_10 : memref<50xi32, #tpu.memory_space<vmem>>) semaphore(%arg10 : memref<!tpu.dma_semaphore, #tpu.memory_space<semaphore_mem>>)
    %dma_start3A_14 = arith.constant 1 : i32
    %dma_start3A_15 = arith.constant 1 : i32
    %dma_start3A_16 = arith.constant 0 : i32
    %dma_start3A_17 = arith.constant 0 : i32
    %dma_start3A_18 = tpu.memref_slice %arg6[%dma_start3A_15, %dma_start3A_16, %dma_start3A_17] : memref<8x50x32xf32, #tpu.memory_space<vmem>> -> memref<1x50x32xf32, #tpu.memory_space<vmem>>
    %dma_start3A_19 = tpu.memref_squeeze %dma_start3A_18 : memref<1x50x32xf32, #tpu.memory_space<vmem>> -> memref<50x32xf32, #tpu.memory_space<vmem>>
    %dma_start3A_20 = arith.constant 0 : i32
    %dma_start3A_21 = tpu.memref_slice %arg5[%dma_start3A_14, %dma_start3A_20] : memref<512x50xi32, #tpu.memory_space<vmem>> -> memref<1x50xi32, #tpu.memory_space<vmem>>
    %dma_start3A_22 = tpu.memref_squeeze %dma_start3A_21 : memref<1x50xi32, #tpu.memory_space<vmem>> -> memref<50xi32, #tpu.memory_space<vmem>>
    %dma_start3A_23 = arith.constant 0 : i32
    %dma_start3A_24 = arith.constant 0 : i32
    %dma_start3A_25 = tpu.memref_slice %arg3[%dma_start3A_23, %dma_start3A_24] : memref<1000000x32xf32, #tpu.memory_space<hbm>> -> memref<1000000x32xf32, #tpu.memory_space<hbm>>
    tpu.enqueue_indirect_dma source(%dma_start3A_25 : memref<1000000x32xf32, #tpu.memory_space<hbm>>) target(%dma_start3A_19 : memref<50x32xf32, #tpu.memory_space<vmem>>) offsets(%dma_start3A_22 : memref<50xi32, #tpu.memory_space<vmem>>) semaphore(%arg10 : memref<!tpu.dma_semaphore, #tpu.memory_space<semaphore_mem>>)
    %dma_start3A_26 = arith.constant 2 : i32
    %dma_start3A_27 = arith.constant 2 : i32
    %dma_start3A_28 = arith.constant 0 : i32
    %dma_start3A_29 = arith.constant 0 : i32
    %dma_start3A_30 = tpu.memref_slice %arg6[%dma_start3A_27, %dma_start3A_28, %dma_start3A_29] : memref<8x50x32xf32, #tpu.memory_space<vmem>> -> memref<1x50x32xf32, #tpu.memory_space<vmem>>
    %dma_start3A_31 = tpu.memref_squeeze %dma_start3A_30 : memref<1x50x32xf32, #tpu.memory_space<vmem>> -> memref<50x32xf32, #tpu.memory_space<vmem>>
    %dma_start3A_32 = arith.constant 0 : i32
    %dma_start3A_33 = tpu.memref_slice %arg5[%dma_start3A_26, %dma_start3A_32] : memref<512x50xi32, #tpu.memory_space<vmem>> -> memref<1x50xi32, #tpu.memory_space<vmem>>
    %dma_start3A_34 = tpu.memref_squeeze %dma_start3A_33 : memref<1x50xi32, #tpu.memory_space<vmem>> -> memref<50xi32, #tpu.memory_space<vmem>>
    %dma_start3A_35 = arith.constant 0 : i32
    %dma_start3A_36 = arith.constant 0 : i32
    %dma_start3A_37 = tpu.memref_slice %arg3[%dma_start3A_35, %dma_start3A_36] : memref<1000000x32xf32, #tpu.memory_space<hbm>> -> memref<1000000x32xf32, #tpu.memory_space<hbm>>
    tpu.enqueue_indirect_dma source(%dma_start3A_37 : memref<1000000x32xf32, #tpu.memory_space<hbm>>) target(%dma_start3A_31 : memref<50x32xf32, #tpu.memory_space<vmem>>) offsets(%dma_start3A_34 : memref<50xi32, #tpu.memory_space<vmem>>) semaphore(%arg10 : memref<!tpu.dma_semaphore, #tpu.memory_space<semaphore_mem>>)
    %dma_start3A_38 = arith.constant 3 : i32
    %dma_start3A_39 = arith.constant 3 : i32
    %dma_start3A_40 = arith.constant 0 : i32
    %dma_start3A_41 = arith.constant 0 : i32
    %dma_start3A_42 = tpu.memref_slice %arg6[%dma_start3A_39, %dma_start3A_40, %dma_start3A_41] : memref<8x50x32xf32, #tpu.memory_space<vmem>> -> memref<1x50x32xf32, #tpu.memory_space<vmem>>
    %dma_start3A_43 = tpu.memref_squeeze %dma_start3A_42 : memref<1x50x32xf32, #tpu.memory_space<vmem>> -> memref<50x32xf32, #tpu.memory_space<vmem>>
    %dma_start3A_44 = arith.constant 0 : i32
    %dma_start3A_45 = tpu.memref_slice %arg5[%dma_start3A_38, %dma_start3A_44] : memref<512x50xi32, #tpu.memory_space<vmem>> -> memref<1x50xi32, #tpu.memory_space<vmem>>
    %dma_start3A_46 = tpu.memref_squeeze %dma_start3A_45 : memref<1x50xi32, #tpu.memory_space<vmem>> -> memref<50xi32, #tpu.memory_space<vmem>>
    %dma_start3A_47 = arith.constant 0 : i32
    %dma_start3A_48 = arith.constant 0 : i32
    %dma_start3A_49 = tpu.memref_slice %arg3[%dma_start3A_47, %dma_start3A_48] : memref<1000000x32xf32, #tpu.memory_space<hbm>> -> memref<1000000x32xf32, #tpu.memory_space<hbm>>
    tpu.enqueue_indirect_dma source(%dma_start3A_49 : memref<1000000x32xf32, #tpu.memory_space<hbm>>) target(%dma_start3A_43 : memref<50x32xf32, #tpu.memory_space<vmem>>) offsets(%dma_start3A_46 : memref<50xi32, #tpu.memory_space<vmem>>) semaphore(%arg10 : memref<!tpu.dma_semaphore, #tpu.memory_space<semaphore_mem>>)
    %dma_start3A_50 = arith.constant 4 : i32
    %dma_start3A_51 = arith.constant 4 : i32
    %dma_start3A_52 = arith.constant 0 : i32
    %dma_start3A_53 = arith.constant 0 : i32
    %dma_start3A_54 = tpu.memref_slice %arg6[%dma_start3A_51, %dma_start3A_52, %dma_start3A_53] : memref<8x50x32xf32, #tpu.memory_space<vmem>> -> memref<1x50x32xf32, #tpu.memory_space<vmem>>
    %dma_start3A_55 = tpu.memref_squeeze %dma_start3A_54 : memref<1x50x32xf32, #tpu.memory_space<vmem>> -> memref<50x32xf32, #tpu.memory_space<vmem>>
    %dma_start3A_56 = arith.constant 0 : i32
    %dma_start3A_57 = tpu.memref_slice %arg5[%dma_start3A_50, %dma_start3A_56] : memref<512x50xi32, #tpu.memory_space<vmem>> -> memref<1x50xi32, #tpu.memory_space<vmem>>
    %dma_start3A_58 = tpu.memref_squeeze %dma_start3A_57 : memref<1x50xi32, #tpu.memory_space<vmem>> -> memref<50xi32, #tpu.memory_space<vmem>>
    %dma_start3A_59 = arith.constant 0 : i32
    %dma_start3A_60 = arith.constant 0 : i32
    %dma_start3A_61 = tpu.memref_slice %arg3[%dma_start3A_59, %dma_start3A_60] : memref<1000000x32xf32, #tpu.memory_space<hbm>> -> memref<1000000x32xf32, #tpu.memory_space<hbm>>
    tpu.enqueue_indirect_dma source(%dma_start3A_61 : memref<1000000x32xf32, #tpu.memory_space<hbm>>) target(%dma_start3A_55 : memref<50x32xf32, #tpu.memory_space<vmem>>) offsets(%dma_start3A_58 : memref<50xi32, #tpu.memory_space<vmem>>) semaphore(%arg10 : memref<!tpu.dma_semaphore, #tpu.memory_space<semaphore_mem>>)
    %dma_start3A_62 = arith.constant 5 : i32
    %dma_start3A_63 = arith.constant 5 : i32
    %dma_start3A_64 = arith.constant 0 : i32
    %dma_start3A_65 = arith.constant 0 : i32
    %dma_start3A_66 = tpu.memref_slice %arg6[%dma_start3A_63, %dma_start3A_64, %dma_start3A_65] : memref<8x50x32xf32, #tpu.memory_space<vmem>> -> memref<1x50x32xf32, #tpu.memory_space<vmem>>
    %dma_start3A_67 = tpu.memref_squeeze %dma_start3A_66 : memref<1x50x32xf32, #tpu.memory_space<vmem>> -> memref<50x32xf32, #tpu.memory_space<vmem>>
    %dma_start3A_68 = arith.constant 0 : i32
    %dma_start3A_69 = tpu.memref_slice %arg5[%dma_start3A_62, %dma_start3A_68] : memref<512x50xi32, #tpu.memory_space<vmem>> -> memref<1x50xi32, #tpu.memory_space<vmem>>
    %dma_start3A_70 = tpu.memref_squeeze %dma_start3A_69 : memref<1x50xi32, #tpu.memory_space<vmem>> -> memref<50xi32, #tpu.memory_space<vmem>>
    %dma_start3A_71 = arith.constant 0 : i32
    %dma_start3A_72 = arith.constant 0 : i32
    %dma_start3A_73 = tpu.memref_slice %arg3[%dma_start3A_71, %dma_start3A_72] : memref<1000000x32xf32, #tpu.memory_space<hbm>> -> memref<1000000x32xf32, #tpu.memory_space<hbm>>
    tpu.enqueue_indirect_dma source(%dma_start3A_73 : memref<1000000x32xf32, #tpu.memory_space<hbm>>) target(%dma_start3A_67 : memref<50x32xf32, #tpu.memory_space<vmem>>) offsets(%dma_start3A_70 : memref<50xi32, #tpu.memory_space<vmem>>) semaphore(%arg10 : memref<!tpu.dma_semaphore, #tpu.memory_space<semaphore_mem>>)
    %dma_start3A_74 = arith.constant 6 : i32
    %dma_start3A_75 = arith.constant 6 : i32
    %dma_start3A_76 = arith.constant 0 : i32
    %dma_start3A_77 = arith.constant 0 : i32
    %dma_start3A_78 = tpu.memref_slice %arg6[%dma_start3A_75, %dma_start3A_76, %dma_start3A_77] : memref<8x50x32xf32, #tpu.memory_space<vmem>> -> memref<1x50x32xf32, #tpu.memory_space<vmem>>
    %dma_start3A_79 = tpu.memref_squeeze %dma_start3A_78 : memref<1x50x32xf32, #tpu.memory_space<vmem>> -> memref<50x32xf32, #tpu.memory_space<vmem>>
    %dma_start3A_80 = arith.constant 0 : i32
    %dma_start3A_81 = tpu.memref_slice %arg5[%dma_start3A_74, %dma_start3A_80] : memref<512x50xi32, #tpu.memory_space<vmem>> -> memref<1x50xi32, #tpu.memory_space<vmem>>
    %dma_start3A_82 = tpu.memref_squeeze %dma_start3A_81 : memref<1x50xi32, #tpu.memory_space<vmem>> -> memref<50xi32, #tpu.memory_space<vmem>>
    %dma_start3A_83 = arith.constant 0 : i32
    %dma_start3A_84 = arith.constant 0 : i32
    %dma_start3A_85 = tpu.memref_slice %arg3[%dma_start3A_83, %dma_start3A_84] : memref<1000000x32xf32, #tpu.memory_space<hbm>> -> memref<1000000x32xf32, #tpu.memory_space<hbm>>
    tpu.enqueue_indirect_dma source(%dma_start3A_85 : memref<1000000x32xf32, #tpu.memory_space<hbm>>) target(%dma_start3A_79 : memref<50x32xf32, #tpu.memory_space<vmem>>) offsets(%dma_start3A_82 : memref<50xi32, #tpu.memory_space<vmem>>) semaphore(%arg10 : memref<!tpu.dma_semaphore, #tpu.memory_space<semaphore_mem>>)
    %dma_start3A_86 = arith.constant 7 : i32
    %dma_start3A_87 = arith.constant 7 : i32
    %dma_start3A_88 = arith.constant 0 : i32
    %dma_start3A_89 = arith.constant 0 : i32
    %dma_start3A_90 = tpu.memref_slice %arg6[%dma_start3A_87, %dma_start3A_88, %dma_start3A_89] : memref<8x50x32xf32, #tpu.memory_space<vmem>> -> memref<1x50x32xf32, #tpu.memory_space<vmem>>
    %dma_start3A_91 = tpu.memref_squeeze %dma_start3A_90 : memref<1x50x32xf32, #tpu.memory_space<vmem>> -> memref<50x32xf32, #tpu.memory_space<vmem>>
    %dma_start3A_92 = arith.constant 0 : i32
    %dma_start3A_93 = tpu.memref_slice %arg5[%dma_start3A_86, %dma_start3A_92] : memref<512x50xi32, #tpu.memory_space<vmem>> -> memref<1x50xi32, #tpu.memory_space<vmem>>
    %dma_start3A_94 = tpu.memref_squeeze %dma_start3A_93 : memref<1x50xi32, #tpu.memory_space<vmem>> -> memref<50xi32, #tpu.memory_space<vmem>>
    %dma_start3A_95 = arith.constant 0 : i32
    %dma_start3A_96 = arith.constant 0 : i32
    %dma_start3A_97 = tpu.memref_slice %arg3[%dma_start3A_95, %dma_start3A_96] : memref<1000000x32xf32, #tpu.memory_space<hbm>> -> memref<1000000x32xf32, #tpu.memory_space<hbm>>
    tpu.enqueue_indirect_dma source(%dma_start3A_97 : memref<1000000x32xf32, #tpu.memory_space<hbm>>) target(%dma_start3A_91 : memref<50x32xf32, #tpu.memory_space<vmem>>) offsets(%dma_start3A_94 : memref<50xi32, #tpu.memory_space<vmem>>) semaphore(%arg10 : memref<!tpu.dma_semaphore, #tpu.memory_space<semaphore_mem>>)
    %dma_start3A_98 = arith.constant 8 : i32
    %dma_start3A_99 = arith.constant 0 : i32
    %dma_start3A_100 = arith.constant 0 : i32
    %dma_start3A_101 = arith.constant 0 : i32
    %dma_start3A_102 = tpu.memref_slice %arg7[%dma_start3A_99, %dma_start3A_100, %dma_start3A_101] : memref<8x50x32xf32, #tpu.memory_space<vmem>> -> memref<1x50x32xf32, #tpu.memory_space<vmem>>
    %dma_start3A_103 = tpu.memref_squeeze %dma_start3A_102 : memref<1x50x32xf32, #tpu.memory_space<vmem>> -> memref<50x32xf32, #tpu.memory_space<vmem>>
    %dma_start3A_104 = arith.constant 0 : i32
    %dma_start3A_105 = tpu.memref_slice %arg5[%dma_start3A_98, %dma_start3A_104] : memref<512x50xi32, #tpu.memory_space<vmem>> -> memref<1x50xi32, #tpu.memory_space<vmem>>
    %dma_start3A_106 = tpu.memref_squeeze %dma_start3A_105 : memref<1x50xi32, #tpu.memory_space<vmem>> -> memref<50xi32, #tpu.memory_space<vmem>>
    %dma_start3A_107 = arith.constant 0 : i32
    %dma_start3A_108 = arith.constant 0 : i32
    %dma_start3A_109 = tpu.memref_slice %arg3[%dma_start3A_107, %dma_start3A_108] : memref<1000000x32xf32, #tpu.memory_space<hbm>> -> memref<1000000x32xf32, #tpu.memory_space<hbm>>
    tpu.enqueue_indirect_dma source(%dma_start3A_109 : memref<1000000x32xf32, #tpu.memory_space<hbm>>) target(%dma_start3A_103 : memref<50x32xf32, #tpu.memory_space<vmem>>) offsets(%dma_start3A_106 : memref<50xi32, #tpu.memory_space<vmem>>) semaphore(%arg11 : memref<!tpu.dma_semaphore, #tpu.memory_space<semaphore_mem>>)
    %dma_start3A_110 = arith.constant 9 : i32
    %dma_start3A_111 = arith.constant 1 : i32
    %dma_start3A_112 = arith.constant 0 : i32
    %dma_start3A_113 = arith.constant 0 : i32
    %dma_start3A_114 = tpu.memref_slice %arg7[%dma_start3A_111, %dma_start3A_112, %dma_start3A_113] : memref<8x50x32xf32, #tpu.memory_space<vmem>> -> memref<1x50x32xf32, #tpu.memory_space<vmem>>
    %dma_start3A_115 = tpu.memref_squeeze %dma_start3A_114 : memref<1x50x32xf32, #tpu.memory_space<vmem>> -> memref<50x32xf32, #tpu.memory_space<vmem>>
    %dma_start3A_116 = arith.constant 0 : i32
    %dma_start3A_117 = tpu.memref_slice %arg5[%dma_start3A_110, %dma_start3A_116] : memref<512x50xi32, #tpu.memory_space<vmem>> -> memref<1x50xi32, #tpu.memory_space<vmem>>
    %dma_start3A_118 = tpu.memref_squeeze %dma_start3A_117 : memref<1x50xi32, #tpu.memory_space<vmem>> -> memref<50xi32, #tpu.memory_space<vmem>>
    %dma_start3A_119 = arith.constant 0 : i32
    %dma_start3A_120 = arith.constant 0 : i32
    %dma_start3A_121 = tpu.memref_slice %arg3[%dma_start3A_119, %dma_start3A_120] : memref<1000000x32xf32, #tpu.memory_space<hbm>> -> memref<1000000x32xf32, #tpu.memory_space<hbm>>
    tpu.enqueue_indirect_dma source(%dma_start3A_121 : memref<1000000x32xf32, #tpu.memory_space<hbm>>) target(%dma_start3A_115 : memref<50x32xf32, #tpu.memory_space<vmem>>) offsets(%dma_start3A_118 : memref<50xi32, #tpu.memory_space<vmem>>) semaphore(%arg11 : memref<!tpu.dma_semaphore, #tpu.memory_space<semaphore_mem>>)
    %dma_start3A_122 = arith.constant 10 : i32
    %dma_start3A_123 = arith.constant 2 : i32
    %dma_start3A_124 = arith.constant 0 : i32
    %dma_start3A_125 = arith.constant 0 : i32
    %dma_start3A_126 = tpu.memref_slice %arg7[%dma_start3A_123, %dma_start3A_124, %dma_start3A_125] : memref<8x50x32xf32, #tpu.memory_space<vmem>> -> memref<1x50x32xf32, #tpu.memory_space<vmem>>
    %dma_start3A_127 = tpu.memref_squeeze %dma_start3A_126 : memref<1x50x32xf32, #tpu.memory_space<vmem>> -> memref<50x32xf32, #tpu.memory_space<vmem>>
    %dma_start3A_128 = arith.constant 0 : i32
    %dma_start3A_129 = tpu.memref_slice %arg5[%dma_start3A_122, %dma_start3A_128] : memref<512x50xi32, #tpu.memory_space<vmem>> -> memref<1x50xi32, #tpu.memory_space<vmem>>
    %dma_start3A_130 = tpu.memref_squeeze %dma_start3A_129 : memref<1x50xi32, #tpu.memory_space<vmem>> -> memref<50xi32, #tpu.memory_space<vmem>>
    %dma_start3A_131 = arith.constant 0 : i32
    %dma_start3A_132 = arith.constant 0 : i32
    %dma_start3A_133 = tpu.memref_slice %arg3[%dma_start3A_131, %dma_start3A_132] : memref<1000000x32xf32, #tpu.memory_space<hbm>> -> memref<1000000x32xf32, #tpu.memory_space<hbm>>
    tpu.enqueue_indirect_dma source(%dma_start3A_133 : memref<1000000x32xf32, #tpu.memory_space<hbm>>) target(%dma_start3A_127 : memref<50x32xf32, #tpu.memory_space<vmem>>) offsets(%dma_start3A_130 : memref<50xi32, #tpu.memory_space<vmem>>) semaphore(%arg11 : memref<!tpu.dma_semaphore, #tpu.memory_space<semaphore_mem>>)
    %dma_start3A_134 = arith.constant 11 : i32
    %dma_start3A_135 = arith.constant 3 : i32
    %dma_start3A_136 = arith.constant 0 : i32
    %dma_start3A_137 = arith.constant 0 : i32
    %dma_start3A_138 = tpu.memref_slice %arg7[%dma_start3A_135, %dma_start3A_136, %dma_start3A_137] : memref<8x50x32xf32, #tpu.memory_space<vmem>> -> memref<1x50x32xf32, #tpu.memory_space<vmem>>
    %dma_start3A_139 = tpu.memref_squeeze %dma_start3A_138 : memref<1x50x32xf32, #tpu.memory_space<vmem>> -> memref<50x32xf32, #tpu.memory_space<vmem>>
    %dma_start3A_140 = arith.constant 0 : i32
    %dma_start3A_141 = tpu.memref_slice %arg5[%dma_start3A_134, %dma_start3A_140] : memref<512x50xi32, #tpu.memory_space<vmem>> -> memref<1x50xi32, #tpu.memory_space<vmem>>
    %dma_start3A_142 = tpu.memref_squeeze %dma_start3A_141 : memref<1x50xi32, #tpu.memory_space<vmem>> -> memref<50xi32, #tpu.memory_space<vmem>>
    %dma_start3A_143 = arith.constant 0 : i32
    %dma_start3A_144 = arith.constant 0 : i32
    %dma_start3A_145 = tpu.memref_slice %arg3[%dma_start3A_143, %dma_start3A_144] : memref<1000000x32xf32, #tpu.memory_space<hbm>> -> memref<1000000x32xf32, #tpu.memory_space<hbm>>
    tpu.enqueue_indirect_dma source(%dma_start3A_145 : memref<1000000x32xf32, #tpu.memory_space<hbm>>) target(%dma_start3A_139 : memref<50x32xf32, #tpu.memory_space<vmem>>) offsets(%dma_start3A_142 : memref<50xi32, #tpu.memory_space<vmem>>) semaphore(%arg11 : memref<!tpu.dma_semaphore, #tpu.memory_space<semaphore_mem>>)
    %dma_start3A_146 = arith.constant 12 : i32
    %dma_start3A_147 = arith.constant 4 : i32
    %dma_start3A_148 = arith.constant 0 : i32
    %dma_start3A_149 = arith.constant 0 : i32
    %dma_start3A_150 = tpu.memref_slice %arg7[%dma_start3A_147, %dma_start3A_148, %dma_start3A_149] : memref<8x50x32xf32, #tpu.memory_space<vmem>> -> memref<1x50x32xf32, #tpu.memory_space<vmem>>
    %dma_start3A_151 = tpu.memref_squeeze %dma_start3A_150 : memref<1x50x32xf32, #tpu.memory_space<vmem>> -> memref<50x32xf32, #tpu.memory_space<vmem>>
    %dma_start3A_152 = arith.constant 0 : i32
    %dma_start3A_153 = tpu.memref_slice %arg5[%dma_start3A_146, %dma_start3A_152] : memref<512x50xi32, #tpu.memory_space<vmem>> -> memref<1x50xi32, #tpu.memory_space<vmem>>
    %dma_start3A_154 = tpu.memref_squeeze %dma_start3A_153 : memref<1x50xi32, #tpu.memory_space<vmem>> -> memref<50xi32, #tpu.memory_space<vmem>>
    %dma_start3A_155 = arith.constant 0 : i32
    %dma_start3A_156 = arith.constant 0 : i32
    %dma_start3A_157 = tpu.memref_slice %arg3[%dma_start3A_155, %dma_start3A_156] : memref<1000000x32xf32, #tpu.memory_space<hbm>> -> memref<1000000x32xf32, #tpu.memory_space<hbm>>
    tpu.enqueue_indirect_dma source(%dma_start3A_157 : memref<1000000x32xf32, #tpu.memory_space<hbm>>) target(%dma_start3A_151 : memref<50x32xf32, #tpu.memory_space<vmem>>) offsets(%dma_start3A_154 : memref<50xi32, #tpu.memory_space<vmem>>) semaphore(%arg11 : memref<!tpu.dma_semaphore, #tpu.memory_space<semaphore_mem>>)
    %dma_start3A_158 = arith.constant 13 : i32
    %dma_start3A_159 = arith.constant 5 : i32
    %dma_start3A_160 = arith.constant 0 : i32
    %dma_start3A_161 = arith.constant 0 : i32
    %dma_start3A_162 = tpu.memref_slice %arg7[%dma_start3A_159, %dma_start3A_160, %dma_start3A_161] : memref<8x50x32xf32, #tpu.memory_space<vmem>> -> memref<1x50x32xf32, #tpu.memory_space<vmem>>
    %dma_start3A_163 = tpu.memref_squeeze %dma_start3A_162 : memref<1x50x32xf32, #tpu.memory_space<vmem>> -> memref<50x32xf32, #tpu.memory_space<vmem>>
    %dma_start3A_164 = arith.constant 0 : i32
    %dma_start3A_165 = tpu.memref_slice %arg5[%dma_start3A_158, %dma_start3A_164] : memref<512x50xi32, #tpu.memory_space<vmem>> -> memref<1x50xi32, #tpu.memory_space<vmem>>
    %dma_start3A_166 = tpu.memref_squeeze %dma_start3A_165 : memref<1x50xi32, #tpu.memory_space<vmem>> -> memref<50xi32, #tpu.memory_space<vmem>>
    %dma_start3A_167 = arith.constant 0 : i32
    %dma_start3A_168 = arith.constant 0 : i32
    %dma_start3A_169 = tpu.memref_slice %arg3[%dma_start3A_167, %dma_start3A_168] : memref<1000000x32xf32, #tpu.memory_space<hbm>> -> memref<1000000x32xf32, #tpu.memory_space<hbm>>
    tpu.enqueue_indirect_dma source(%dma_start3A_169 : memref<1000000x32xf32, #tpu.memory_space<hbm>>) target(%dma_start3A_163 : memref<50x32xf32, #tpu.memory_space<vmem>>) offsets(%dma_start3A_166 : memref<50xi32, #tpu.memory_space<vmem>>) semaphore(%arg11 : memref<!tpu.dma_semaphore, #tpu.memory_space<semaphore_mem>>)
    %dma_start3A_170 = arith.constant 14 : i32
    %dma_start3A_171 = arith.constant 6 : i32
    %dma_start3A_172 = arith.constant 0 : i32
    %dma_start3A_173 = arith.constant 0 : i32
    %dma_start3A_174 = tpu.memref_slice %arg7[%dma_start3A_171, %dma_start3A_172, %dma_start3A_173] : memref<8x50x32xf32, #tpu.memory_space<vmem>> -> memref<1x50x32xf32, #tpu.memory_space<vmem>>
    %dma_start3A_175 = tpu.memref_squeeze %dma_start3A_174 : memref<1x50x32xf32, #tpu.memory_space<vmem>> -> memref<50x32xf32, #tpu.memory_space<vmem>>
    %dma_start3A_176 = arith.constant 0 : i32
    %dma_start3A_177 = tpu.memref_slice %arg5[%dma_start3A_170, %dma_start3A_176] : memref<512x50xi32, #tpu.memory_space<vmem>> -> memref<1x50xi32, #tpu.memory_space<vmem>>
    %dma_start3A_178 = tpu.memref_squeeze %dma_start3A_177 : memref<1x50xi32, #tpu.memory_space<vmem>> -> memref<50xi32, #tpu.memory_space<vmem>>
    %dma_start3A_179 = arith.constant 0 : i32
    %dma_start3A_180 = arith.constant 0 : i32
    %dma_start3A_181 = tpu.memref_slice %arg3[%dma_start3A_179, %dma_start3A_180] : memref<1000000x32xf32, #tpu.memory_space<hbm>> -> memref<1000000x32xf32, #tpu.memory_space<hbm>>
    tpu.enqueue_indirect_dma source(%dma_start3A_181 : memref<1000000x32xf32, #tpu.memory_space<hbm>>) target(%dma_start3A_175 : memref<50x32xf32, #tpu.memory_space<vmem>>) offsets(%dma_start3A_178 : memref<50xi32, #tpu.memory_space<vmem>>) semaphore(%arg11 : memref<!tpu.dma_semaphore, #tpu.memory_space<semaphore_mem>>)
    %dma_start3A_182 = arith.constant 15 : i32
    %dma_start3A_183 = arith.constant 7 : i32
    %dma_start3A_184 = arith.constant 0 : i32
    %dma_start3A_185 = arith.constant 0 : i32
    %dma_start3A_186 = tpu.memref_slice %arg7[%dma_start3A_183, %dma_start3A_184, %dma_start3A_185] : memref<8x50x32xf32, #tpu.memory_space<vmem>> -> memref<1x50x32xf32, #tpu.memory_space<vmem>>
    %dma_start3A_187 = tpu.memref_squeeze %dma_start3A_186 : memref<1x50x32xf32, #tpu.memory_space<vmem>> -> memref<50x32xf32, #tpu.memory_space<vmem>>
    %dma_start3A_188 = arith.constant 0 : i32
    %dma_start3A_189 = tpu.memref_slice %arg5[%dma_start3A_182, %dma_start3A_188] : memref<512x50xi32, #tpu.memory_space<vmem>> -> memref<1x50xi32, #tpu.memory_space<vmem>>
    %dma_start3A_190 = tpu.memref_squeeze %dma_start3A_189 : memref<1x50xi32, #tpu.memory_space<vmem>> -> memref<50xi32, #tpu.memory_space<vmem>>
    %dma_start3A_191 = arith.constant 0 : i32
    %dma_start3A_192 = arith.constant 0 : i32
    %dma_start3A_193 = tpu.memref_slice %arg3[%dma_start3A_191, %dma_start3A_192] : memref<1000000x32xf32, #tpu.memory_space<hbm>> -> memref<1000000x32xf32, #tpu.memory_space<hbm>>
    tpu.enqueue_indirect_dma source(%dma_start3A_193 : memref<1000000x32xf32, #tpu.memory_space<hbm>>) target(%dma_start3A_187 : memref<50x32xf32, #tpu.memory_space<vmem>>) offsets(%dma_start3A_190 : memref<50xi32, #tpu.memory_space<vmem>>) semaphore(%arg11 : memref<!tpu.dma_semaphore, #tpu.memory_space<semaphore_mem>>)
    %scan3A = arith.constant 0 : i32
    %scan3A_194 = arith.constant 0 : i32
    %scan3A_195 = arith.constant 32 : i32
    %scan3A_196 = arith.addi %scan3A_194, %scan3A_195 : i32
    %scan3A_197 = arith.constant 1 : i32
    scf.for %scan3A_210 = %scan3A_194 to %scan3A_196 step %scan3A_197  : i32 {
      %mul3A_211 = arith.constant 2 : i32
      %mul3A_212 = arith.muli %scan3A_210, %mul3A_211 : i32
      %dma_wait3A_213 = arith.constant 0 : i32
      %dma_wait3A_214 = arith.constant 0 : i32
      %dma_wait3A_215 = arith.constant 0 : i32
      %dma_wait3A_216 = arith.constant 0 : i32
      %dma_wait3A_217 = tpu.memref_slice %arg6[%dma_wait3A_214, %dma_wait3A_215, %dma_wait3A_216] : memref<8x50x32xf32, #tpu.memory_space<vmem>> -> memref<1x50x32xf32, #tpu.memory_space<vmem>>
      %dma_wait3A_218 = tpu.memref_squeeze %dma_wait3A_217 : memref<1x50x32xf32, #tpu.memory_space<vmem>> -> memref<50x32xf32, #tpu.memory_space<vmem>>
      %dma_wait3A_219 = arith.constant 0 : i32
      %dma_wait3A_220 = tpu.memref_slice %arg5[%dma_wait3A_213, %dma_wait3A_219] : memref<512x50xi32, #tpu.memory_space<vmem>> -> memref<1x50xi32, #tpu.memory_space<vmem>>
      %dma_wait3A_221 = tpu.memref_squeeze %dma_wait3A_220 : memref<1x50xi32, #tpu.memory_space<vmem>> -> memref<50xi32, #tpu.memory_space<vmem>>
      %dma_wait3A_222 = arith.constant 0 : i32
      %dma_wait3A_223 = arith.constant 0 : i32
      %dma_wait3A_224 = tpu.memref_slice %arg3[%dma_wait3A_222, %dma_wait3A_223] : memref<1000000x32xf32, #tpu.memory_space<hbm>> -> memref<1000000x32xf32, #tpu.memory_space<hbm>>
      tpu.wait_indirect_dma semaphore(%arg10 : memref<!tpu.dma_semaphore, #tpu.memory_space<semaphore_mem>>) src(%dma_wait3A_224 : memref<1000000x32xf32, #tpu.memory_space<hbm>>) dst(%dma_wait3A_218 : memref<50x32xf32, #tpu.memory_space<vmem>>)
      %dma_wait3A_225 = arith.constant 1 : i32
      %dma_wait3A_226 = arith.constant 1 : i32
      %dma_wait3A_227 = arith.constant 0 : i32
      %dma_wait3A_228 = arith.constant 0 : i32
      %dma_wait3A_229 = tpu.memref_slice %arg6[%dma_wait3A_226, %dma_wait3A_227, %dma_wait3A_228] : memref<8x50x32xf32, #tpu.memory_space<vmem>> -> memref<1x50x32xf32, #tpu.memory_space<vmem>>
      %dma_wait3A_230 = tpu.memref_squeeze %dma_wait3A_229 : memref<1x50x32xf32, #tpu.memory_space<vmem>> -> memref<50x32xf32, #tpu.memory_space<vmem>>
      %dma_wait3A_231 = arith.constant 0 : i32
      %dma_wait3A_232 = tpu.memref_slice %arg5[%dma_wait3A_225, %dma_wait3A_231] : memref<512x50xi32, #tpu.memory_space<vmem>> -> memref<1x50xi32, #tpu.memory_space<vmem>>
      %dma_wait3A_233 = tpu.memref_squeeze %dma_wait3A_232 : memref<1x50xi32, #tpu.memory_space<vmem>> -> memref<50xi32, #tpu.memory_space<vmem>>
      %dma_wait3A_234 = arith.constant 0 : i32
      %dma_wait3A_235 = arith.constant 0 : i32
      %dma_wait3A_236 = tpu.memref_slice %arg3[%dma_wait3A_234, %dma_wait3A_235] : memref<1000000x32xf32, #tpu.memory_space<hbm>> -> memref<1000000x32xf32, #tpu.memory_space<hbm>>
      tpu.wait_indirect_dma semaphore(%arg10 : memref<!tpu.dma_semaphore, #tpu.memory_space<semaphore_mem>>) src(%dma_wait3A_236 : memref<1000000x32xf32, #tpu.memory_space<hbm>>) dst(%dma_wait3A_230 : memref<50x32xf32, #tpu.memory_space<vmem>>)
      %dma_wait3A_237 = arith.constant 2 : i32
      %dma_wait3A_238 = arith.constant 2 : i32
      %dma_wait3A_239 = arith.constant 0 : i32
      %dma_wait3A_240 = arith.constant 0 : i32
      %dma_wait3A_241 = tpu.memref_slice %arg6[%dma_wait3A_238, %dma_wait3A_239, %dma_wait3A_240] : memref<8x50x32xf32, #tpu.memory_space<vmem>> -> memref<1x50x32xf32, #tpu.memory_space<vmem>>
      %dma_wait3A_242 = tpu.memref_squeeze %dma_wait3A_241 : memref<1x50x32xf32, #tpu.memory_space<vmem>> -> memref<50x32xf32, #tpu.memory_space<vmem>>
      %dma_wait3A_243 = arith.constant 0 : i32
      %dma_wait3A_244 = tpu.memref_slice %arg5[%dma_wait3A_237, %dma_wait3A_243] : memref<512x50xi32, #tpu.memory_space<vmem>> -> memref<1x50xi32, #tpu.memory_space<vmem>>
      %dma_wait3A_245 = tpu.memref_squeeze %dma_wait3A_244 : memref<1x50xi32, #tpu.memory_space<vmem>> -> memref<50xi32, #tpu.memory_space<vmem>>
      %dma_wait3A_246 = arith.constant 0 : i32
      %dma_wait3A_247 = arith.constant 0 : i32
      %dma_wait3A_248 = tpu.memref_slice %arg3[%dma_wait3A_246, %dma_wait3A_247] : memref<1000000x32xf32, #tpu.memory_space<hbm>> -> memref<1000000x32xf32, #tpu.memory_space<hbm>>
      tpu.wait_indirect_dma semaphore(%arg10 : memref<!tpu.dma_semaphore, #tpu.memory_space<semaphore_mem>>) src(%dma_wait3A_248 : memref<1000000x32xf32, #tpu.memory_space<hbm>>) dst(%dma_wait3A_242 : memref<50x32xf32, #tpu.memory_space<vmem>>)
      %dma_wait3A_249 = arith.constant 3 : i32
      %dma_wait3A_250 = arith.constant 3 : i32
      %dma_wait3A_251 = arith.constant 0 : i32
      %dma_wait3A_252 = arith.constant 0 : i32
      %dma_wait3A_253 = tpu.memref_slice %arg6[%dma_wait3A_250, %dma_wait3A_251, %dma_wait3A_252] : memref<8x50x32xf32, #tpu.memory_space<vmem>> -> memref<1x50x32xf32, #tpu.memory_space<vmem>>
      %dma_wait3A_254 = tpu.memref_squeeze %dma_wait3A_253 : memref<1x50x32xf32, #tpu.memory_space<vmem>> -> memref<50x32xf32, #tpu.memory_space<vmem>>
      %dma_wait3A_255 = arith.constant 0 : i32
      %dma_wait3A_256 = tpu.memref_slice %arg5[%dma_wait3A_249, %dma_wait3A_255] : memref<512x50xi32, #tpu.memory_space<vmem>> -> memref<1x50xi32, #tpu.memory_space<vmem>>
      %dma_wait3A_257 = tpu.memref_squeeze %dma_wait3A_256 : memref<1x50xi32, #tpu.memory_space<vmem>> -> memref<50xi32, #tpu.memory_space<vmem>>
      %dma_wait3A_258 = arith.constant 0 : i32
      %dma_wait3A_259 = arith.constant 0 : i32
      %dma_wait3A_260 = tpu.memref_slice %arg3[%dma_wait3A_258, %dma_wait3A_259] : memref<1000000x32xf32, #tpu.memory_space<hbm>> -> memref<1000000x32xf32, #tpu.memory_space<hbm>>
      tpu.wait_indirect_dma semaphore(%arg10 : memref<!tpu.dma_semaphore, #tpu.memory_space<semaphore_mem>>) src(%dma_wait3A_260 : memref<1000000x32xf32, #tpu.memory_space<hbm>>) dst(%dma_wait3A_254 : memref<50x32xf32, #tpu.memory_space<vmem>>)
      %dma_wait3A_261 = arith.constant 4 : i32
      %dma_wait3A_262 = arith.constant 4 : i32
      %dma_wait3A_263 = arith.constant 0 : i32
      %dma_wait3A_264 = arith.constant 0 : i32
      %dma_wait3A_265 = tpu.memref_slice %arg6[%dma_wait3A_262, %dma_wait3A_263, %dma_wait3A_264] : memref<8x50x32xf32, #tpu.memory_space<vmem>> -> memref<1x50x32xf32, #tpu.memory_space<vmem>>
      %dma_wait3A_266 = tpu.memref_squeeze %dma_wait3A_265 : memref<1x50x32xf32, #tpu.memory_space<vmem>> -> memref<50x32xf32, #tpu.memory_space<vmem>>
      %dma_wait3A_267 = arith.constant 0 : i32
      %dma_wait3A_268 = tpu.memref_slice %arg5[%dma_wait3A_261, %dma_wait3A_267] : memref<512x50xi32, #tpu.memory_space<vmem>> -> memref<1x50xi32, #tpu.memory_space<vmem>>
      %dma_wait3A_269 = tpu.memref_squeeze %dma_wait3A_268 : memref<1x50xi32, #tpu.memory_space<vmem>> -> memref<50xi32, #tpu.memory_space<vmem>>
      %dma_wait3A_270 = arith.constant 0 : i32
      %dma_wait3A_271 = arith.constant 0 : i32
      %dma_wait3A_272 = tpu.memref_slice %arg3[%dma_wait3A_270, %dma_wait3A_271] : memref<1000000x32xf32, #tpu.memory_space<hbm>> -> memref<1000000x32xf32, #tpu.memory_space<hbm>>
      tpu.wait_indirect_dma semaphore(%arg10 : memref<!tpu.dma_semaphore, #tpu.memory_space<semaphore_mem>>) src(%dma_wait3A_272 : memref<1000000x32xf32, #tpu.memory_space<hbm>>) dst(%dma_wait3A_266 : memref<50x32xf32, #tpu.memory_space<vmem>>)
      %dma_wait3A_273 = arith.constant 5 : i32
      %dma_wait3A_274 = arith.constant 5 : i32
      %dma_wait3A_275 = arith.constant 0 : i32
      %dma_wait3A_276 = arith.constant 0 : i32
      %dma_wait3A_277 = tpu.memref_slice %arg6[%dma_wait3A_274, %dma_wait3A_275, %dma_wait3A_276] : memref<8x50x32xf32, #tpu.memory_space<vmem>> -> memref<1x50x32xf32, #tpu.memory_space<vmem>>
      %dma_wait3A_278 = tpu.memref_squeeze %dma_wait3A_277 : memref<1x50x32xf32, #tpu.memory_space<vmem>> -> memref<50x32xf32, #tpu.memory_space<vmem>>
      %dma_wait3A_279 = arith.constant 0 : i32
      %dma_wait3A_280 = tpu.memref_slice %arg5[%dma_wait3A_273, %dma_wait3A_279] : memref<512x50xi32, #tpu.memory_space<vmem>> -> memref<1x50xi32, #tpu.memory_space<vmem>>
      %dma_wait3A_281 = tpu.memref_squeeze %dma_wait3A_280 : memref<1x50xi32, #tpu.memory_space<vmem>> -> memref<50xi32, #tpu.memory_space<vmem>>
      %dma_wait3A_282 = arith.constant 0 : i32
      %dma_wait3A_283 = arith.constant 0 : i32
      %dma_wait3A_284 = tpu.memref_slice %arg3[%dma_wait3A_282, %dma_wait3A_283] : memref<1000000x32xf32, #tpu.memory_space<hbm>> -> memref<1000000x32xf32, #tpu.memory_space<hbm>>
      tpu.wait_indirect_dma semaphore(%arg10 : memref<!tpu.dma_semaphore, #tpu.memory_space<semaphore_mem>>) src(%dma_wait3A_284 : memref<1000000x32xf32, #tpu.memory_space<hbm>>) dst(%dma_wait3A_278 : memref<50x32xf32, #tpu.memory_space<vmem>>)
      %dma_wait3A_285 = arith.constant 6 : i32
      %dma_wait3A_286 = arith.constant 6 : i32
      %dma_wait3A_287 = arith.constant 0 : i32
      %dma_wait3A_288 = arith.constant 0 : i32
      %dma_wait3A_289 = tpu.memref_slice %arg6[%dma_wait3A_286, %dma_wait3A_287, %dma_wait3A_288] : memref<8x50x32xf32, #tpu.memory_space<vmem>> -> memref<1x50x32xf32, #tpu.memory_space<vmem>>
      %dma_wait3A_290 = tpu.memref_squeeze %dma_wait3A_289 : memref<1x50x32xf32, #tpu.memory_space<vmem>> -> memref<50x32xf32, #tpu.memory_space<vmem>>
      %dma_wait3A_291 = arith.constant 0 : i32
      %dma_wait3A_292 = tpu.memref_slice %arg5[%dma_wait3A_285, %dma_wait3A_291] : memref<512x50xi32, #tpu.memory_space<vmem>> -> memref<1x50xi32, #tpu.memory_space<vmem>>
      %dma_wait3A_293 = tpu.memref_squeeze %dma_wait3A_292 : memref<1x50xi32, #tpu.memory_space<vmem>> -> memref<50xi32, #tpu.memory_space<vmem>>
      %dma_wait3A_294 = arith.constant 0 : i32
      %dma_wait3A_295 = arith.constant 0 : i32
      %dma_wait3A_296 = tpu.memref_slice %arg3[%dma_wait3A_294, %dma_wait3A_295] : memref<1000000x32xf32, #tpu.memory_space<hbm>> -> memref<1000000x32xf32, #tpu.memory_space<hbm>>
      tpu.wait_indirect_dma semaphore(%arg10 : memref<!tpu.dma_semaphore, #tpu.memory_space<semaphore_mem>>) src(%dma_wait3A_296 : memref<1000000x32xf32, #tpu.memory_space<hbm>>) dst(%dma_wait3A_290 : memref<50x32xf32, #tpu.memory_space<vmem>>)
      %dma_wait3A_297 = arith.constant 7 : i32
      %dma_wait3A_298 = arith.constant 7 : i32
      %dma_wait3A_299 = arith.constant 0 : i32
      %dma_wait3A_300 = arith.constant 0 : i32
      %dma_wait3A_301 = tpu.memref_slice %arg6[%dma_wait3A_298, %dma_wait3A_299, %dma_wait3A_300] : memref<8x50x32xf32, #tpu.memory_space<vmem>> -> memref<1x50x32xf32, #tpu.memory_space<vmem>>
      %dma_wait3A_302 = tpu.memref_squeeze %dma_wait3A_301 : memref<1x50x32xf32, #tpu.memory_space<vmem>> -> memref<50x32xf32, #tpu.memory_space<vmem>>
      %dma_wait3A_303 = arith.constant 0 : i32
      %dma_wait3A_304 = tpu.memref_slice %arg5[%dma_wait3A_297, %dma_wait3A_303] : memref<512x50xi32, #tpu.memory_space<vmem>> -> memref<1x50xi32, #tpu.memory_space<vmem>>
      %dma_wait3A_305 = tpu.memref_squeeze %dma_wait3A_304 : memref<1x50xi32, #tpu.memory_space<vmem>> -> memref<50xi32, #tpu.memory_space<vmem>>
      %dma_wait3A_306 = arith.constant 0 : i32
      %dma_wait3A_307 = arith.constant 0 : i32
      %dma_wait3A_308 = tpu.memref_slice %arg3[%dma_wait3A_306, %dma_wait3A_307] : memref<1000000x32xf32, #tpu.memory_space<hbm>> -> memref<1000000x32xf32, #tpu.memory_space<hbm>>
      tpu.wait_indirect_dma semaphore(%arg10 : memref<!tpu.dma_semaphore, #tpu.memory_space<semaphore_mem>>) src(%dma_wait3A_308 : memref<1000000x32xf32, #tpu.memory_space<hbm>>) dst(%dma_wait3A_302 : memref<50x32xf32, #tpu.memory_space<vmem>>)
      %add3A_309 = arith.constant 0 : i32
      %add3A_310 = arith.addi %mul3A_212, %add3A_309 : i32
      %ge3A = arith.constant 2 : i32
      %ge3A_311 = arith.cmpi sge, %add3A_310, %ge3A : i32
      %convert_element_type3A = arith.extui %ge3A_311 : i1 to i32
      %cond3A = arith.constant 0 : i32
      %cond3A_312 = arith.cmpi ne, %convert_element_type3A, %cond3A : i32
      scf.if %cond3A_312 {
        %dma_wait3A_467 = arith.constant 0 : i32
        %dma_wait3A_468 = arith.constant 0 : i32
        %dma_wait3A_469 = tpu.memref_slice %arg4[%mul3A_2, %dma_wait3A_467, %dma_wait3A_468] : memref<16384x50x32xf32, #tpu.memory_space<hbm>> -> memref<8x50x32xf32, #tpu.memory_space<hbm>>
        %dma_wait3A_470 = arith.constant 0 : i32
        %dma_wait3A_471 = arith.constant 0 : i32
        %dma_wait3A_472 = tpu.memref_slice %arg4[%mul3A_2, %dma_wait3A_470, %dma_wait3A_471] : memref<16384x50x32xf32, #tpu.memory_space<hbm>> -> memref<8x50x32xf32, #tpu.memory_space<hbm>>
        tpu.wait_dma2 semaphore(%arg12 : memref<!tpu.dma_semaphore, #tpu.memory_space<semaphore_mem>>) src(%arg8 : memref<8x50x32xf32, #tpu.memory_space<vmem>>) dst(%dma_wait3A_472 : memref<8x50x32xf32, #tpu.memory_space<hbm>>)
      } else {
      }
      %scan3A_313 = arith.constant 0 : i32
      %scan3A_314 = arith.constant 0 : i32
      %scan3A_315 = arith.constant 50 : i32
      %scan3A_316 = arith.addi %scan3A_314, %scan3A_315 : i32
      %scan3A_317 = arith.constant 1 : i32
      scf.for %scan3A_467 = %scan3A_314 to %scan3A_316 step %scan3A_317  : i32 {
        %get3A = arith.constant 0 : i32
        %get3A_468 = arith.index_cast %get3A : i32 to index
        %get3A_469 = arith.index_cast %scan3A_467 : i32 to index
        %get3A_470 = arith.constant 0 : index
        %get3A_471 = tpu.vector_load %arg6[%get3A_468, %get3A_469, %get3A_470] {strides = array<i32>} : memref<8x50x32xf32, #tpu.memory_space<vmem>>, vector<1x1x16xf32>,
        %get3A_472 = vector.shape_cast %get3A_471 : vector<1x1x16xf32> to vector<16xf32>
        %get3A_473 = arith.constant 0 : i32
        %get3A_474 = arith.index_cast %get3A_473 : i32 to index
        %get3A_475 = arith.index_cast %scan3A_467 : i32 to index
        %get3A_476 = arith.constant 16 : index
        %get3A_477 = tpu.vector_load %arg6[%get3A_474, %get3A_475, %get3A_476] {strides = array<i32>} : memref<8x50x32xf32, #tpu.memory_space<vmem>>, vector<1x1x16xf32>,
        %get3A_478 = vector.shape_cast %get3A_477 : vector<1x1x16xf32> to vector<16xf32>
        %max3A = arith.constant 0.000000e+00 : f32
        %max3A_479 = vector.broadcast %max3A : f32 to vector<16xf32>
        %max3A_480 = arith.maximumf %get3A_472, %max3A_479 : vector<16xf32>
        %swap3A = arith.constant 0 : i32
        %swap3A_481 = arith.index_cast %swap3A : i32 to index
        %swap3A_482 = arith.index_cast %scan3A_467 : i32 to index
        %swap3A_483 = arith.constant 0 : index
        %swap3A_484 = tpu.vector_load %arg8[%swap3A_481, %swap3A_482, %swap3A_483] {strides = array<i32>} : memref<8x50x32xf32, #tpu.memory_space<vmem>>, vector<1x1x16xf32>,
        %swap3A_485 = vector.shape_cast %swap3A_484 : vector<1x1x16xf32> to vector<16xf32>
        %swap3A_486 = vector.shape_cast %max3A_480 : vector<16xf32> to vector<1x1x16xf32>
        tpu.vector_store %arg8[%swap3A_481, %swap3A_482, %swap3A_483], %swap3A_486 {strides = array<i32>} : memref<8x50x32xf32, #tpu.memory_space<vmem>>, vector<1x1x16xf32>,
        %max3A_487 = arith.constant 0.000000e+00 : f32
        %max3A_488 = vector.broadcast %max3A_487 : f32 to vector<16xf32>
        %max3A_489 = arith.maximumf %get3A_478, %max3A_488 : vector<16xf32>
        %swap3A_490 = arith.constant 0 : i32
        %swap3A_491 = arith.index_cast %swap3A_490 : i32 to index
        %swap3A_492 = arith.index_cast %scan3A_467 : i32 to index
        %swap3A_493 = arith.constant 16 : index
        %swap3A_494 = tpu.vector_load %arg8[%swap3A_491, %swap3A_492, %swap3A_493] {strides = array<i32>} : memref<8x50x32xf32, #tpu.memory_space<vmem>>, vector<1x1x16xf32>,
        %swap3A_495 = vector.shape_cast %swap3A_494 : vector<1x1x16xf32> to vector<16xf32>
        %swap3A_496 = vector.shape_cast %max3A_489 : vector<16xf32> to vector<1x1x16xf32>
        tpu.vector_store %arg8[%swap3A_491, %swap3A_492, %swap3A_493], %swap3A_496 {strides = array<i32>} : memref<8x50x32xf32, #tpu.memory_space<vmem>>, vector<1x1x16xf32>,
        %get3A_497 = arith.constant 1 : i32
        %get3A_498 = arith.index_cast %get3A_497 : i32 to index
        %get3A_499 = arith.index_cast %scan3A_467 : i32 to index
        %get3A_500 = arith.constant 0 : index
        %get3A_501 = tpu.vector_load %arg6[%get3A_498, %get3A_499, %get3A_500] {strides = array<i32>} : memref<8x50x32xf32, #tpu.memory_space<vmem>>, vector<1x1x16xf32>,
        %get3A_502 = vector.shape_cast %get3A_501 : vector<1x1x16xf32> to vector<16xf32>
        %get3A_503 = arith.constant 1 : i32
        %get3A_504 = arith.index_cast %get3A_503 : i32 to index
        %get3A_505 = arith.index_cast %scan3A_467 : i32 to index
        %get3A_506 = arith.constant 16 : index
        %get3A_507 = tpu.vector_load %arg6[%get3A_504, %get3A_505, %get3A_506] {strides = array<i32>} : memref<8x50x32xf32, #tpu.memory_space<vmem>>, vector<1x1x16xf32>,
        %get3A_508 = vector.shape_cast %get3A_507 : vector<1x1x16xf32> to vector<16xf32>
        %max3A_509 = arith.constant 0.000000e+00 : f32
        %max3A_510 = vector.broadcast %max3A_509 : f32 to vector<16xf32>
        %max3A_511 = arith.maximumf %get3A_502, %max3A_510 : vector<16xf32>
        %swap3A_512 = arith.constant 1 : i32
        %swap3A_513 = arith.index_cast %swap3A_512 : i32 to index
        %swap3A_514 = arith.index_cast %scan3A_467 : i32 to index
        %swap3A_515 = arith.constant 0 : index
        %swap3A_516 = tpu.vector_load %arg8[%swap3A_513, %swap3A_514, %swap3A_515] {strides = array<i32>} : memref<8x50x32xf32, #tpu.memory_space<vmem>>, vector<1x1x16xf32>,
        %swap3A_517 = vector.shape_cast %swap3A_516 : vector<1x1x16xf32> to vector<16xf32>
        %swap3A_518 = vector.shape_cast %max3A_511 : vector<16xf32> to vector<1x1x16xf32>
        tpu.vector_store %arg8[%swap3A_513, %swap3A_514, %swap3A_515], %swap3A_518 {strides = array<i32>} : memref<8x50x32xf32, #tpu.memory_space<vmem>>, vector<1x1x16xf32>,
        %max3A_519 = arith.constant 0.000000e+00 : f32
        %max3A_520 = vector.broadcast %max3A_519 : f32 to vector<16xf32>
        %max3A_521 = arith.maximumf %get3A_508, %max3A_520 : vector<16xf32>
        %swap3A_522 = arith.constant 1 : i32
        %swap3A_523 = arith.index_cast %swap3A_522 : i32 to index
        %swap3A_524 = arith.index_cast %scan3A_467 : i32 to index
        %swap3A_525 = arith.constant 16 : index
        %swap3A_526 = tpu.vector_load %arg8[%swap3A_523, %swap3A_524, %swap3A_525] {strides = array<i32>} : memref<8x50x32xf32, #tpu.memory_space<vmem>>, vector<1x1x16xf32>,
        %swap3A_527 = vector.shape_cast %swap3A_526 : vector<1x1x16xf32> to vector<16xf32>
        %swap3A_528 = vector.shape_cast %max3A_521 : vector<16xf32> to vector<1x1x16xf32>
        tpu.vector_store %arg8[%swap3A_523, %swap3A_524, %swap3A_525], %swap3A_528 {strides = array<i32>} : memref<8x50x32xf32, #tpu.memory_space<vmem>>, vector<1x1x16xf32>,
        %get3A_529 = arith.constant 2 : i32
        %get3A_530 = arith.index_cast %get3A_529 : i32 to index
        %get3A_531 = arith.index_cast %scan3A_467 : i32 to index
        %get3A_532 = arith.constant 0 : index
        %get3A_533 = tpu.vector_load %arg6[%get3A_530, %get3A_531, %get3A_532] {strides = array<i32>} : memref<8x50x32xf32, #tpu.memory_space<vmem>>, vector<1x1x16xf32>,
        %get3A_534 = vector.shape_cast %get3A_533 : vector<1x1x16xf32> to vector<16xf32>
        %get3A_535 = arith.constant 2 : i32
        %get3A_536 = arith.index_cast %get3A_535 : i32 to index
        %get3A_537 = arith.index_cast %scan3A_467 : i32 to index
        %get3A_538 = arith.constant 16 : index
        %get3A_539 = tpu.vector_load %arg6[%get3A_536, %get3A_537, %get3A_538] {strides = array<i32>} : memref<8x50x32xf32, #tpu.memory_space<vmem>>, vector<1x1x16xf32>,
        %get3A_540 = vector.shape_cast %get3A_539 : vector<1x1x16xf32> to vector<16xf32>
        %max3A_541 = arith.constant 0.000000e+00 : f32
        %max3A_542 = vector.broadcast %max3A_541 : f32 to vector<16xf32>
        %max3A_543 = arith.maximumf %get3A_534, %max3A_542 : vector<16xf32>
        %swap3A_544 = arith.constant 2 : i32
        %swap3A_545 = arith.index_cast %swap3A_544 : i32 to index
        %swap3A_546 = arith.index_cast %scan3A_467 : i32 to index
        %swap3A_547 = arith.constant 0 : index
        %swap3A_548 = tpu.vector_load %arg8[%swap3A_545, %swap3A_546, %swap3A_547] {strides = array<i32>} : memref<8x50x32xf32, #tpu.memory_space<vmem>>, vector<1x1x16xf32>,
        %swap3A_549 = vector.shape_cast %swap3A_548 : vector<1x1x16xf32> to vector<16xf32>
        %swap3A_550 = vector.shape_cast %max3A_543 : vector<16xf32> to vector<1x1x16xf32>
        tpu.vector_store %arg8[%swap3A_545, %swap3A_546, %swap3A_547], %swap3A_550 {strides = array<i32>} : memref<8x50x32xf32, #tpu.memory_space<vmem>>, vector<1x1x16xf32>,
        %max3A_551 = arith.constant 0.000000e+00 : f32
        %max3A_552 = vector.broadcast %max3A_551 : f32 to vector<16xf32>
        %max3A_553 = arith.maximumf %get3A_540, %max3A_552 : vector<16xf32>
        %swap3A_554 = arith.constant 2 : i32
        %swap3A_555 = arith.index_cast %swap3A_554 : i32 to index
        %swap3A_556 = arith.index_cast %scan3A_467 : i32 to index
        %swap3A_557 = arith.constant 16 : index
        %swap3A_558 = tpu.vector_load %arg8[%swap3A_555, %swap3A_556, %swap3A_557] {strides = array<i32>} : memref<8x50x32xf32, #tpu.memory_space<vmem>>, vector<1x1x16xf32>,
        %swap3A_559 = vector.shape_cast %swap3A_558 : vector<1x1x16xf32> to vector<16xf32>
        %swap3A_560 = vector.shape_cast %max3A_553 : vector<16xf32> to vector<1x1x16xf32>
        tpu.vector_store %arg8[%swap3A_555, %swap3A_556, %swap3A_557], %swap3A_560 {strides = array<i32>} : memref<8x50x32xf32, #tpu.memory_space<vmem>>, vector<1x1x16xf32>,
        %get3A_561 = arith.constant 3 : i32
        %get3A_562 = arith.index_cast %get3A_561 : i32 to index
        %get3A_563 = arith.index_cast %scan3A_467 : i32 to index
        %get3A_564 = arith.constant 0 : index
        %get3A_565 = tpu.vector_load %arg6[%get3A_562, %get3A_563, %get3A_564] {strides = array<i32>} : memref<8x50x32xf32, #tpu.memory_space<vmem>>, vector<1x1x16xf32>,
        %get3A_566 = vector.shape_cast %get3A_565 : vector<1x1x16xf32> to vector<16xf32>
        %get3A_567 = arith.constant 3 : i32
        %get3A_568 = arith.index_cast %get3A_567 : i32 to index
        %get3A_569 = arith.index_cast %scan3A_467 : i32 to index
        %get3A_570 = arith.constant 16 : index
        %get3A_571 = tpu.vector_load %arg6[%get3A_568, %get3A_569, %get3A_570] {strides = array<i32>} : memref<8x50x32xf32, #tpu.memory_space<vmem>>, vector<1x1x16xf32>,
        %get3A_572 = vector.shape_cast %get3A_571 : vector<1x1x16xf32> to vector<16xf32>
        %max3A_573 = arith.constant 0.000000e+00 : f32
        %max3A_574 = vector.broadcast %max3A_573 : f32 to vector<16xf32>
        %max3A_575 = arith.maximumf %get3A_566, %max3A_574 : vector<16xf32>
        %swap3A_576 = arith.constant 3 : i32
        %swap3A_577 = arith.index_cast %swap3A_576 : i32 to index
        %swap3A_578 = arith.index_cast %scan3A_467 : i32 to index
        %swap3A_579 = arith.constant 0 : index
        %swap3A_580 = tpu.vector_load %arg8[%swap3A_577, %swap3A_578, %swap3A_579] {strides = array<i32>} : memref<8x50x32xf32, #tpu.memory_space<vmem>>, vector<1x1x16xf32>,
        %swap3A_581 = vector.shape_cast %swap3A_580 : vector<1x1x16xf32> to vector<16xf32>
        %swap3A_582 = vector.shape_cast %max3A_575 : vector<16xf32> to vector<1x1x16xf32>
        tpu.vector_store %arg8[%swap3A_577, %swap3A_578, %swap3A_579], %swap3A_582 {strides = array<i32>} : memref<8x50x32xf32, #tpu.memory_space<vmem>>, vector<1x1x16xf32>,
        %max3A_583 = arith.constant 0.000000e+00 : f32
        %max3A_584 = vector.broadcast %max3A_583 : f32 to vector<16xf32>
        %max3A_585 = arith.maximumf %get3A_572, %max3A_584 : vector<16xf32>
        %swap3A_586 = arith.constant 3 : i32
        %swap3A_587 = arith.index_cast %swap3A_586 : i32 to index
        %swap3A_588 = arith.index_cast %scan3A_467 : i32 to index
        %swap3A_589 = arith.constant 16 : index
        %swap3A_590 = tpu.vector_load %arg8[%swap3A_587, %swap3A_588, %swap3A_589] {strides = array<i32>} : memref<8x50x32xf32, #tpu.memory_space<vmem>>, vector<1x1x16xf32>,
        %swap3A_591 = vector.shape_cast %swap3A_590 : vector<1x1x16xf32> to vector<16xf32>
        %swap3A_592 = vector.shape_cast %max3A_585 : vector<16xf32> to vector<1x1x16xf32>
        tpu.vector_store %arg8[%swap3A_587, %swap3A_588, %swap3A_589], %swap3A_592 {strides = array<i32>} : memref<8x50x32xf32, #tpu.memory_space<vmem>>, vector<1x1x16xf32>,
        %get3A_593 = arith.constant 4 : i32
        %get3A_594 = arith.index_cast %get3A_593 : i32 to index
        %get3A_595 = arith.index_cast %scan3A_467 : i32 to index
        %get3A_596 = arith.constant 0 : index
        %get3A_597 = tpu.vector_load %arg6[%get3A_594, %get3A_595, %get3A_596] {strides = array<i32>} : memref<8x50x32xf32, #tpu.memory_space<vmem>>, vector<1x1x16xf32>,
        %get3A_598 = vector.shape_cast %get3A_597 : vector<1x1x16xf32> to vector<16xf32>
        %get3A_599 = arith.constant 4 : i32
        %get3A_600 = arith.index_cast %get3A_599 : i32 to index
        %get3A_601 = arith.index_cast %scan3A_467 : i32 to index
        %get3A_602 = arith.constant 16 : index
        %get3A_603 = tpu.vector_load %arg6[%get3A_600, %get3A_601, %get3A_602] {strides = array<i32>} : memref<8x50x32xf32, #tpu.memory_space<vmem>>, vector<1x1x16xf32>,
        %get3A_604 = vector.shape_cast %get3A_603 : vector<1x1x16xf32> to vector<16xf32>
        %max3A_605 = arith.constant 0.000000e+00 : f32
        %max3A_606 = vector.broadcast %max3A_605 : f32 to vector<16xf32>
        %max3A_607 = arith.maximumf %get3A_598, %max3A_606 : vector<16xf32>
        %swap3A_608 = arith.constant 4 : i32
        %swap3A_609 = arith.index_cast %swap3A_608 : i32 to index
        %swap3A_610 = arith.index_cast %scan3A_467 : i32 to index
        %swap3A_611 = arith.constant 0 : index
        %swap3A_612 = tpu.vector_load %arg8[%swap3A_609, %swap3A_610, %swap3A_611] {strides = array<i32>} : memref<8x50x32xf32, #tpu.memory_space<vmem>>, vector<1x1x16xf32>,
        %swap3A_613 = vector.shape_cast %swap3A_612 : vector<1x1x16xf32> to vector<16xf32>
        %swap3A_614 = vector.shape_cast %max3A_607 : vector<16xf32> to vector<1x1x16xf32>
        tpu.vector_store %arg8[%swap3A_609, %swap3A_610, %swap3A_611], %swap3A_614 {strides = array<i32>} : memref<8x50x32xf32, #tpu.memory_space<vmem>>, vector<1x1x16xf32>,
        %max3A_615 = arith.constant 0.000000e+00 : f32
        %max3A_616 = vector.broadcast %max3A_615 : f32 to vector<16xf32>
        %max3A_617 = arith.maximumf %get3A_604, %max3A_616 : vector<16xf32>
        %swap3A_618 = arith.constant 4 : i32
        %swap3A_619 = arith.index_cast %swap3A_618 : i32 to index
        %swap3A_620 = arith.index_cast %scan3A_467 : i32 to index
        %swap3A_621 = arith.constant 16 : index
        %swap3A_622 = tpu.vector_load %arg8[%swap3A_619, %swap3A_620, %swap3A_621] {strides = array<i32>} : memref<8x50x32xf32, #tpu.memory_space<vmem>>, vector<1x1x16xf32>,
        %swap3A_623 = vector.shape_cast %swap3A_622 : vector<1x1x16xf32> to vector<16xf32>
        %swap3A_624 = vector.shape_cast %max3A_617 : vector<16xf32> to vector<1x1x16xf32>
        tpu.vector_store %arg8[%swap3A_619, %swap3A_620, %swap3A_621], %swap3A_624 {strides = array<i32>} : memref<8x50x32xf32, #tpu.memory_space<vmem>>, vector<1x1x16xf32>,
        %get3A_625 = arith.constant 5 : i32
        %get3A_626 = arith.index_cast %get3A_625 : i32 to index
        %get3A_627 = arith.index_cast %scan3A_467 : i32 to index
        %get3A_628 = arith.constant 0 : index
        %get3A_629 = tpu.vector_load %arg6[%get3A_626, %get3A_627, %get3A_628] {strides = array<i32>} : memref<8x50x32xf32, #tpu.memory_space<vmem>>, vector<1x1x16xf32>,
        %get3A_630 = vector.shape_cast %get3A_629 : vector<1x1x16xf32> to vector<16xf32>
        %get3A_631 = arith.constant 5 : i32
        %get3A_632 = arith.index_cast %get3A_631 : i32 to index
        %get3A_633 = arith.index_cast %scan3A_467 : i32 to index
        %get3A_634 = arith.constant 16 : index
        %get3A_635 = tpu.vector_load %arg6[%get3A_632, %get3A_633, %get3A_634] {strides = array<i32>} : memref<8x50x32xf32, #tpu.memory_space<vmem>>, vector<1x1x16xf32>,
        %get3A_636 = vector.shape_cast %get3A_635 : vector<1x1x16xf32> to vector<16xf32>
        %max3A_637 = arith.constant 0.000000e+00 : f32
        %max3A_638 = vector.broadcast %max3A_637 : f32 to vector<16xf32>
        %max3A_639 = arith.maximumf %get3A_630, %max3A_638 : vector<16xf32>
        %swap3A_640 = arith.constant 5 : i32
        %swap3A_641 = arith.index_cast %swap3A_640 : i32 to index
        %swap3A_642 = arith.index_cast %scan3A_467 : i32 to index
        %swap3A_643 = arith.constant 0 : index
        %swap3A_644 = tpu.vector_load %arg8[%swap3A_641, %swap3A_642, %swap3A_643] {strides = array<i32>} : memref<8x50x32xf32, #tpu.memory_space<vmem>>, vector<1x1x16xf32>,
        %swap3A_645 = vector.shape_cast %swap3A_644 : vector<1x1x16xf32> to vector<16xf32>
        %swap3A_646 = vector.shape_cast %max3A_639 : vector<16xf32> to vector<1x1x16xf32>
        tpu.vector_store %arg8[%swap3A_641, %swap3A_642, %swap3A_643], %swap3A_646 {strides = array<i32>} : memref<8x50x32xf32, #tpu.memory_space<vmem>>, vector<1x1x16xf32>,
        %max3A_647 = arith.constant 0.000000e+00 : f32
        %max3A_648 = vector.broadcast %max3A_647 : f32 to vector<16xf32>
        %max3A_649 = arith.maximumf %get3A_636, %max3A_648 : vector<16xf32>
        %swap3A_650 = arith.constant 5 : i32
        %swap3A_651 = arith.index_cast %swap3A_650 : i32 to index
        %swap3A_652 = arith.index_cast %scan3A_467 : i32 to index
        %swap3A_653 = arith.constant 16 : index
        %swap3A_654 = tpu.vector_load %arg8[%swap3A_651, %swap3A_652, %swap3A_653] {strides = array<i32>} : memref<8x50x32xf32, #tpu.memory_space<vmem>>, vector<1x1x16xf32>,
        %swap3A_655 = vector.shape_cast %swap3A_654 : vector<1x1x16xf32> to vector<16xf32>
        %swap3A_656 = vector.shape_cast %max3A_649 : vector<16xf32> to vector<1x1x16xf32>
        tpu.vector_store %arg8[%swap3A_651, %swap3A_652, %swap3A_653], %swap3A_656 {strides = array<i32>} : memref<8x50x32xf32, #tpu.memory_space<vmem>>, vector<1x1x16xf32>,
        %get3A_657 = arith.constant 6 : i32
        %get3A_658 = arith.index_cast %get3A_657 : i32 to index
        %get3A_659 = arith.index_cast %scan3A_467 : i32 to index
        %get3A_660 = arith.constant 0 : index
        %get3A_661 = tpu.vector_load %arg6[%get3A_658, %get3A_659, %get3A_660] {strides = array<i32>} : memref<8x50x32xf32, #tpu.memory_space<vmem>>, vector<1x1x16xf32>,
        %get3A_662 = vector.shape_cast %get3A_661 : vector<1x1x16xf32> to vector<16xf32>
        %get3A_663 = arith.constant 6 : i32
        %get3A_664 = arith.index_cast %get3A_663 : i32 to index
        %get3A_665 = arith.index_cast %scan3A_467 : i32 to index
        %get3A_666 = arith.constant 16 : index
        %get3A_667 = tpu.vector_load %arg6[%get3A_664, %get3A_665, %get3A_666] {strides = array<i32>} : memref<8x50x32xf32, #tpu.memory_space<vmem>>, vector<1x1x16xf32>,
        %get3A_668 = vector.shape_cast %get3A_667 : vector<1x1x16xf32> to vector<16xf32>
        %max3A_669 = arith.constant 0.000000e+00 : f32
        %max3A_670 = vector.broadcast %max3A_669 : f32 to vector<16xf32>
        %max3A_671 = arith.maximumf %get3A_662, %max3A_670 : vector<16xf32>
        %swap3A_672 = arith.constant 6 : i32
        %swap3A_673 = arith.index_cast %swap3A_672 : i32 to index
        %swap3A_674 = arith.index_cast %scan3A_467 : i32 to index
        %swap3A_675 = arith.constant 0 : index
        %swap3A_676 = tpu.vector_load %arg8[%swap3A_673, %swap3A_674, %swap3A_675] {strides = array<i32>} : memref<8x50x32xf32, #tpu.memory_space<vmem>>, vector<1x1x16xf32>,
        %swap3A_677 = vector.shape_cast %swap3A_676 : vector<1x1x16xf32> to vector<16xf32>
        %swap3A_678 = vector.shape_cast %max3A_671 : vector<16xf32> to vector<1x1x16xf32>
        tpu.vector_store %arg8[%swap3A_673, %swap3A_674, %swap3A_675], %swap3A_678 {strides = array<i32>} : memref<8x50x32xf32, #tpu.memory_space<vmem>>, vector<1x1x16xf32>,
        %max3A_679 = arith.constant 0.000000e+00 : f32
        %max3A_680 = vector.broadcast %max3A_679 : f32 to vector<16xf32>
        %max3A_681 = arith.maximumf %get3A_668, %max3A_680 : vector<16xf32>
        %swap3A_682 = arith.constant 6 : i32
        %swap3A_683 = arith.index_cast %swap3A_682 : i32 to index
        %swap3A_684 = arith.index_cast %scan3A_467 : i32 to index
        %swap3A_685 = arith.constant 16 : index
        %swap3A_686 = tpu.vector_load %arg8[%swap3A_683, %swap3A_684, %swap3A_685] {strides = array<i32>} : memref<8x50x32xf32, #tpu.memory_space<vmem>>, vector<1x1x16xf32>,
        %swap3A_687 = vector.shape_cast %swap3A_686 : vector<1x1x16xf32> to vector<16xf32>
        %swap3A_688 = vector.shape_cast %max3A_681 : vector<16xf32> to vector<1x1x16xf32>
        tpu.vector_store %arg8[%swap3A_683, %swap3A_684, %swap3A_685], %swap3A_688 {strides = array<i32>} : memref<8x50x32xf32, #tpu.memory_space<vmem>>, vector<1x1x16xf32>,
        %get3A_689 = arith.constant 7 : i32
        %get3A_690 = arith.index_cast %get3A_689 : i32 to index
        %get3A_691 = arith.index_cast %scan3A_467 : i32 to index
        %get3A_692 = arith.constant 0 : index
        %get3A_693 = tpu.vector_load %arg6[%get3A_690, %get3A_691, %get3A_692] {strides = array<i32>} : memref<8x50x32xf32, #tpu.memory_space<vmem>>, vector<1x1x16xf32>,
        %get3A_694 = vector.shape_cast %get3A_693 : vector<1x1x16xf32> to vector<16xf32>
        %get3A_695 = arith.constant 7 : i32
        %get3A_696 = arith.index_cast %get3A_695 : i32 to index
        %get3A_697 = arith.index_cast %scan3A_467 : i32 to index
        %get3A_698 = arith.constant 16 : index
        %get3A_699 = tpu.vector_load %arg6[%get3A_696, %get3A_697, %get3A_698] {strides = array<i32>} : memref<8x50x32xf32, #tpu.memory_space<vmem>>, vector<1x1x16xf32>,
        %get3A_700 = vector.shape_cast %get3A_699 : vector<1x1x16xf32> to vector<16xf32>
        %max3A_701 = arith.constant 0.000000e+00 : f32
        %max3A_702 = vector.broadcast %max3A_701 : f32 to vector<16xf32>
        %max3A_703 = arith.maximumf %get3A_694, %max3A_702 : vector<16xf32>
        %swap3A_704 = arith.constant 7 : i32
        %swap3A_705 = arith.index_cast %swap3A_704 : i32 to index
        %swap3A_706 = arith.index_cast %scan3A_467 : i32 to index
        %swap3A_707 = arith.constant 0 : index
        %swap3A_708 = tpu.vector_load %arg8[%swap3A_705, %swap3A_706, %swap3A_707] {strides = array<i32>} : memref<8x50x32xf32, #tpu.memory_space<vmem>>, vector<1x1x16xf32>,
        %swap3A_709 = vector.shape_cast %swap3A_708 : vector<1x1x16xf32> to vector<16xf32>
        %swap3A_710 = vector.shape_cast %max3A_703 : vector<16xf32> to vector<1x1x16xf32>
        tpu.vector_store %arg8[%swap3A_705, %swap3A_706, %swap3A_707], %swap3A_710 {strides = array<i32>} : memref<8x50x32xf32, #tpu.memory_space<vmem>>, vector<1x1x16xf32>,
        %max3A_711 = arith.constant 0.000000e+00 : f32
        %max3A_712 = vector.broadcast %max3A_711 : f32 to vector<16xf32>
        %max3A_713 = arith.maximumf %get3A_700, %max3A_712 : vector<16xf32>
        %swap3A_714 = arith.constant 7 : i32
        %swap3A_715 = arith.index_cast %swap3A_714 : i32 to index
        %swap3A_716 = arith.index_cast %scan3A_467 : i32 to index
        %swap3A_717 = arith.constant 16 : index
        %swap3A_718 = tpu.vector_load %arg8[%swap3A_715, %swap3A_716, %swap3A_717] {strides = array<i32>} : memref<8x50x32xf32, #tpu.memory_space<vmem>>, vector<1x1x16xf32>,
        %swap3A_719 = vector.shape_cast %swap3A_718 : vector<1x1x16xf32> to vector<16xf32>
        %swap3A_720 = vector.shape_cast %max3A_713 : vector<16xf32> to vector<1x1x16xf32>
        tpu.vector_store %arg8[%swap3A_715, %swap3A_716, %swap3A_717], %swap3A_720 {strides = array<i32>} : memref<8x50x32xf32, #tpu.memory_space<vmem>>, vector<1x1x16xf32>,
      }
      %scan3A_318 = arith.constant 50 : i32
      %add3A_319 = arith.constant 0 : i32
      %add3A_320 = arith.addi %mul3A_212, %add3A_319 : i32
      %mul3A_321 = arith.constant 8 : i32
      %mul3A_322 = arith.muli %add3A_320, %mul3A_321 : i32
      %add3A_323 = arith.addi %mul3A_2, %mul3A_322 : i32
      %dma_start3A_324 = arith.constant 0 : i32
      %dma_start3A_325 = arith.constant 0 : i32
      %dma_start3A_326 = tpu.memref_slice %arg4[%add3A_323, %dma_start3A_324, %dma_start3A_325] : memref<16384x50x32xf32, #tpu.memory_space<hbm>> -> memref<8x50x32xf32, #tpu.memory_space<hbm>>
      %dma_start3A_327 = arith.constant 0 : i32
      %dma_start3A_328 = arith.constant 0 : i32
      %dma_start3A_329 = tpu.memref_slice %arg4[%add3A_323, %dma_start3A_327, %dma_start3A_328] : memref<16384x50x32xf32, #tpu.memory_space<hbm>> -> memref<8x50x32xf32, #tpu.memory_space<hbm>>
      tpu.enqueue_dma source(%arg8 : memref<8x50x32xf32, #tpu.memory_space<vmem>>) target(%dma_start3A_329 : memref<8x50x32xf32, #tpu.memory_space<hbm>>) target_semaphore(%arg12 : memref<!tpu.dma_semaphore, #tpu.memory_space<semaphore_mem>>)
      %add3A_330 = arith.constant 0 : i32
      %add3A_331 = arith.addi %mul3A_212, %add3A_330 : i32
      %add3A_332 = arith.constant 2 : i32
      %add3A_333 = arith.addi %add3A_331, %add3A_332 : i32
      %lt3A = arith.constant 64 : i32
      %lt3A_334 = arith.cmpi slt, %add3A_333, %lt3A : i32
      %convert_element_type3A_335 = arith.extui %lt3A_334 : i1 to i32
      %cond3A_336 = arith.constant 0 : i32
      %cond3A_337 = arith.cmpi ne, %convert_element_type3A_335, %cond3A_336 : i32
      scf.if %cond3A_337 {
        %add3A_467 = arith.constant 0 : i32
        %add3A_468 = arith.addi %mul3A_212, %add3A_467 : i32
        %add3A_469 = arith.constant 2 : i32
        %add3A_470 = arith.addi %add3A_468, %add3A_469 : i32
        %mul3A_471 = arith.constant 8 : i32
        %mul3A_472 = arith.muli %add3A_470, %mul3A_471 : i32
        %add3A_473 = arith.constant 0 : i32
        %add3A_474 = arith.addi %mul3A_472, %add3A_473 : i32
        %dma_start3A_475 = arith.constant 0 : i32
        %dma_start3A_476 = arith.constant 0 : i32
        %dma_start3A_477 = arith.constant 0 : i32
        %dma_start3A_478 = tpu.memref_slice %arg6[%dma_start3A_475, %dma_start3A_476, %dma_start3A_477] : memref<8x50x32xf32, #tpu.memory_space<vmem>> -> memref<1x50x32xf32, #tpu.memory_space<vmem>>
        %dma_start3A_479 = tpu.memref_squeeze %dma_start3A_478 : memref<1x50x32xf32, #tpu.memory_space<vmem>> -> memref<50x32xf32, #tpu.memory_space<vmem>>
        %dma_start3A_480 = arith.constant 0 : i32
        %dma_start3A_481 = tpu.memref_slice %arg5[%add3A_474, %dma_start3A_480] : memref<512x50xi32, #tpu.memory_space<vmem>> -> memref<1x50xi32, #tpu.memory_space<vmem>>
        %dma_start3A_482 = tpu.memref_squeeze %dma_start3A_481 : memref<1x50xi32, #tpu.memory_space<vmem>> -> memref<50xi32, #tpu.memory_space<vmem>>
        %dma_start3A_483 = arith.constant 0 : i32
        %dma_start3A_484 = arith.constant 0 : i32
        %dma_start3A_485 = tpu.memref_slice %arg3[%dma_start3A_483, %dma_start3A_484] : memref<1000000x32xf32, #tpu.memory_space<hbm>> -> memref<1000000x32xf32, #tpu.memory_space<hbm>>
        tpu.enqueue_indirect_dma source(%dma_start3A_485 : memref<1000000x32xf32, #tpu.memory_space<hbm>>) target(%dma_start3A_479 : memref<50x32xf32, #tpu.memory_space<vmem>>) offsets(%dma_start3A_482 : memref<50xi32, #tpu.memory_space<vmem>>) semaphore(%arg10 : memref<!tpu.dma_semaphore, #tpu.memory_space<semaphore_mem>>)
        %mul3A_486 = arith.constant 8 : i32
        %mul3A_487 = arith.muli %add3A_470, %mul3A_486 : i32
        %add3A_488 = arith.constant 1 : i32
        %add3A_489 = arith.addi %mul3A_487, %add3A_488 : i32
        %dma_start3A_490 = arith.constant 1 : i32
        %dma_start3A_491 = arith.constant 0 : i32
        %dma_start3A_492 = arith.constant 0 : i32
        %dma_start3A_493 = tpu.memref_slice %arg6[%dma_start3A_490, %dma_start3A_491, %dma_start3A_492] : memref<8x50x32xf32, #tpu.memory_space<vmem>> -> memref<1x50x32xf32, #tpu.memory_space<vmem>>
        %dma_start3A_494 = tpu.memref_squeeze %dma_start3A_493 : memref<1x50x32xf32, #tpu.memory_space<vmem>> -> memref<50x32xf32, #tpu.memory_space<vmem>>
        %dma_start3A_495 = arith.constant 0 : i32
        %dma_start3A_496 = tpu.memref_slice %arg5[%add3A_489, %dma_start3A_495] : memref<512x50xi32, #tpu.memory_space<vmem>> -> memref<1x50xi32, #tpu.memory_space<vmem>>
        %dma_start3A_497 = tpu.memref_squeeze %dma_start3A_496 : memref<1x50xi32, #tpu.memory_space<vmem>> -> memref<50xi32, #tpu.memory_space<vmem>>
        %dma_start3A_498 = arith.constant 0 : i32
        %dma_start3A_499 = arith.constant 0 : i32
        %dma_start3A_500 = tpu.memref_slice %arg3[%dma_start3A_498, %dma_start3A_499] : memref<1000000x32xf32, #tpu.memory_space<hbm>> -> memref<1000000x32xf32, #tpu.memory_space<hbm>>
        tpu.enqueue_indirect_dma source(%dma_start3A_500 : memref<1000000x32xf32, #tpu.memory_space<hbm>>) target(%dma_start3A_494 : memref<50x32xf32, #tpu.memory_space<vmem>>) offsets(%dma_start3A_497 : memref<50xi32, #tpu.memory_space<vmem>>) semaphore(%arg10 : memref<!tpu.dma_semaphore, #tpu.memory_space<semaphore_mem>>)
        %mul3A_501 = arith.constant 8 : i32
        %mul3A_502 = arith.muli %add3A_470, %mul3A_501 : i32
        %add3A_503 = arith.constant 2 : i32
        %add3A_504 = arith.addi %mul3A_502, %add3A_503 : i32
        %dma_start3A_505 = arith.constant 2 : i32
        %dma_start3A_506 = arith.constant 0 : i32
        %dma_start3A_507 = arith.constant 0 : i32
        %dma_start3A_508 = tpu.memref_slice %arg6[%dma_start3A_505, %dma_start3A_506, %dma_start3A_507] : memref<8x50x32xf32, #tpu.memory_space<vmem>> -> memref<1x50x32xf32, #tpu.memory_space<vmem>>
        %dma_start3A_509 = tpu.memref_squeeze %dma_start3A_508 : memref<1x50x32xf32, #tpu.memory_space<vmem>> -> memref<50x32xf32, #tpu.memory_space<vmem>>
        %dma_start3A_510 = arith.constant 0 : i32
        %dma_start3A_511 = tpu.memref_slice %arg5[%add3A_504, %dma_start3A_510] : memref<512x50xi32, #tpu.memory_space<vmem>> -> memref<1x50xi32, #tpu.memory_space<vmem>>
        %dma_start3A_512 = tpu.memref_squeeze %dma_start3A_511 : memref<1x50xi32, #tpu.memory_space<vmem>> -> memref<50xi32, #tpu.memory_space<vmem>>
        %dma_start3A_513 = arith.constant 0 : i32
        %dma_start3A_514 = arith.constant 0 : i32
        %dma_start3A_515 = tpu.memref_slice %arg3[%dma_start3A_513, %dma_start3A_514] : memref<1000000x32xf32, #tpu.memory_space<hbm>> -> memref<1000000x32xf32, #tpu.memory_space<hbm>>
        tpu.enqueue_indirect_dma source(%dma_start3A_515 : memref<1000000x32xf32, #tpu.memory_space<hbm>>) target(%dma_start3A_509 : memref<50x32xf32, #tpu.memory_space<vmem>>) offsets(%dma_start3A_512 : memref<50xi32, #tpu.memory_space<vmem>>) semaphore(%arg10 : memref<!tpu.dma_semaphore, #tpu.memory_space<semaphore_mem>>)
        %mul3A_516 = arith.constant 8 : i32
        %mul3A_517 = arith.muli %add3A_470, %mul3A_516 : i32
        %add3A_518 = arith.constant 3 : i32
        %add3A_519 = arith.addi %mul3A_517, %add3A_518 : i32
        %dma_start3A_520 = arith.constant 3 : i32
        %dma_start3A_521 = arith.constant 0 : i32
        %dma_start3A_522 = arith.constant 0 : i32
        %dma_start3A_523 = tpu.memref_slice %arg6[%dma_start3A_520, %dma_start3A_521, %dma_start3A_522] : memref<8x50x32xf32, #tpu.memory_space<vmem>> -> memref<1x50x32xf32, #tpu.memory_space<vmem>>
        %dma_start3A_524 = tpu.memref_squeeze %dma_start3A_523 : memref<1x50x32xf32, #tpu.memory_space<vmem>> -> memref<50x32xf32, #tpu.memory_space<vmem>>
        %dma_start3A_525 = arith.constant 0 : i32
        %dma_start3A_526 = tpu.memref_slice %arg5[%add3A_519, %dma_start3A_525] : memref<512x50xi32, #tpu.memory_space<vmem>> -> memref<1x50xi32, #tpu.memory_space<vmem>>
        %dma_start3A_527 = tpu.memref_squeeze %dma_start3A_526 : memref<1x50xi32, #tpu.memory_space<vmem>> -> memref<50xi32, #tpu.memory_space<vmem>>
        %dma_start3A_528 = arith.constant 0 : i32
        %dma_start3A_529 = arith.constant 0 : i32
        %dma_start3A_530 = tpu.memref_slice %arg3[%dma_start3A_528, %dma_start3A_529] : memref<1000000x32xf32, #tpu.memory_space<hbm>> -> memref<1000000x32xf32, #tpu.memory_space<hbm>>
        tpu.enqueue_indirect_dma source(%dma_start3A_530 : memref<1000000x32xf32, #tpu.memory_space<hbm>>) target(%dma_start3A_524 : memref<50x32xf32, #tpu.memory_space<vmem>>) offsets(%dma_start3A_527 : memref<50xi32, #tpu.memory_space<vmem>>) semaphore(%arg10 : memref<!tpu.dma_semaphore, #tpu.memory_space<semaphore_mem>>)
        %mul3A_531 = arith.constant 8 : i32
        %mul3A_532 = arith.muli %add3A_470, %mul3A_531 : i32
        %add3A_533 = arith.constant 4 : i32
        %add3A_534 = arith.addi %mul3A_532, %add3A_533 : i32
        %dma_start3A_535 = arith.constant 4 : i32
        %dma_start3A_536 = arith.constant 0 : i32
        %dma_start3A_537 = arith.constant 0 : i32
        %dma_start3A_538 = tpu.memref_slice %arg6[%dma_start3A_535, %dma_start3A_536, %dma_start3A_537] : memref<8x50x32xf32, #tpu.memory_space<vmem>> -> memref<1x50x32xf32, #tpu.memory_space<vmem>>
        %dma_start3A_539 = tpu.memref_squeeze %dma_start3A_538 : memref<1x50x32xf32, #tpu.memory_space<vmem>> -> memref<50x32xf32, #tpu.memory_space<vmem>>
        %dma_start3A_540 = arith.constant 0 : i32
        %dma_start3A_541 = tpu.memref_slice %arg5[%add3A_534, %dma_start3A_540] : memref<512x50xi32, #tpu.memory_space<vmem>> -> memref<1x50xi32, #tpu.memory_space<vmem>>
        %dma_start3A_542 = tpu.memref_squeeze %dma_start3A_541 : memref<1x50xi32, #tpu.memory_space<vmem>> -> memref<50xi32, #tpu.memory_space<vmem>>
        %dma_start3A_543 = arith.constant 0 : i32
        %dma_start3A_544 = arith.constant 0 : i32
        %dma_start3A_545 = tpu.memref_slice %arg3[%dma_start3A_543, %dma_start3A_544] : memref<1000000x32xf32, #tpu.memory_space<hbm>> -> memref<1000000x32xf32, #tpu.memory_space<hbm>>
        tpu.enqueue_indirect_dma source(%dma_start3A_545 : memref<1000000x32xf32, #tpu.memory_space<hbm>>) target(%dma_start3A_539 : memref<50x32xf32, #tpu.memory_space<vmem>>) offsets(%dma_start3A_542 : memref<50xi32, #tpu.memory_space<vmem>>) semaphore(%arg10 : memref<!tpu.dma_semaphore, #tpu.memory_space<semaphore_mem>>)
        %mul3A_546 = arith.constant 8 : i32
        %mul3A_547 = arith.muli %add3A_470, %mul3A_546 : i32
        %add3A_548 = arith.constant 5 : i32
        %add3A_549 = arith.addi %mul3A_547, %add3A_548 : i32
        %dma_start3A_550 = arith.constant 5 : i32
        %dma_start3A_551 = arith.constant 0 : i32
        %dma_start3A_552 = arith.constant 0 : i32
        %dma_start3A_553 = tpu.memref_slice %arg6[%dma_start3A_550, %dma_start3A_551, %dma_start3A_552] : memref<8x50x32xf32, #tpu.memory_space<vmem>> -> memref<1x50x32xf32, #tpu.memory_space<vmem>>
        %dma_start3A_554 = tpu.memref_squeeze %dma_start3A_553 : memref<1x50x32xf32, #tpu.memory_space<vmem>> -> memref<50x32xf32, #tpu.memory_space<vmem>>
        %dma_start3A_555 = arith.constant 0 : i32
        %dma_start3A_556 = tpu.memref_slice %arg5[%add3A_549, %dma_start3A_555] : memref<512x50xi32, #tpu.memory_space<vmem>> -> memref<1x50xi32, #tpu.memory_space<vmem>>
        %dma_start3A_557 = tpu.memref_squeeze %dma_start3A_556 : memref<1x50xi32, #tpu.memory_space<vmem>> -> memref<50xi32, #tpu.memory_space<vmem>>
        %dma_start3A_558 = arith.constant 0 : i32
        %dma_start3A_559 = arith.constant 0 : i32
        %dma_start3A_560 = tpu.memref_slice %arg3[%dma_start3A_558, %dma_start3A_559] : memref<1000000x32xf32, #tpu.memory_space<hbm>> -> memref<1000000x32xf32, #tpu.memory_space<hbm>>
        tpu.enqueue_indirect_dma source(%dma_start3A_560 : memref<1000000x32xf32, #tpu.memory_space<hbm>>) target(%dma_start3A_554 : memref<50x32xf32, #tpu.memory_space<vmem>>) offsets(%dma_start3A_557 : memref<50xi32, #tpu.memory_space<vmem>>) semaphore(%arg10 : memref<!tpu.dma_semaphore, #tpu.memory_space<semaphore_mem>>)
        %mul3A_561 = arith.constant 8 : i32
        %mul3A_562 = arith.muli %add3A_470, %mul3A_561 : i32
        %add3A_563 = arith.constant 6 : i32
        %add3A_564 = arith.addi %mul3A_562, %add3A_563 : i32
        %dma_start3A_565 = arith.constant 6 : i32
        %dma_start3A_566 = arith.constant 0 : i32
        %dma_start3A_567 = arith.constant 0 : i32
        %dma_start3A_568 = tpu.memref_slice %arg6[%dma_start3A_565, %dma_start3A_566, %dma_start3A_567] : memref<8x50x32xf32, #tpu.memory_space<vmem>> -> memref<1x50x32xf32, #tpu.memory_space<vmem>>
        %dma_start3A_569 = tpu.memref_squeeze %dma_start3A_568 : memref<1x50x32xf32, #tpu.memory_space<vmem>> -> memref<50x32xf32, #tpu.memory_space<vmem>>
        %dma_start3A_570 = arith.constant 0 : i32
        %dma_start3A_571 = tpu.memref_slice %arg5[%add3A_564, %dma_start3A_570] : memref<512x50xi32, #tpu.memory_space<vmem>> -> memref<1x50xi32, #tpu.memory_space<vmem>>
        %dma_start3A_572 = tpu.memref_squeeze %dma_start3A_571 : memref<1x50xi32, #tpu.memory_space<vmem>> -> memref<50xi32, #tpu.memory_space<vmem>>
        %dma_start3A_573 = arith.constant 0 : i32
        %dma_start3A_574 = arith.constant 0 : i32
        %dma_start3A_575 = tpu.memref_slice %arg3[%dma_start3A_573, %dma_start3A_574] : memref<1000000x32xf32, #tpu.memory_space<hbm>> -> memref<1000000x32xf32, #tpu.memory_space<hbm>>
        tpu.enqueue_indirect_dma source(%dma_start3A_575 : memref<1000000x32xf32, #tpu.memory_space<hbm>>) target(%dma_start3A_569 : memref<50x32xf32, #tpu.memory_space<vmem>>) offsets(%dma_start3A_572 : memref<50xi32, #tpu.memory_space<vmem>>) semaphore(%arg10 : memref<!tpu.dma_semaphore, #tpu.memory_space<semaphore_mem>>)
        %mul3A_576 = arith.constant 8 : i32
        %mul3A_577 = arith.muli %add3A_470, %mul3A_576 : i32
        %add3A_578 = arith.constant 7 : i32
        %add3A_579 = arith.addi %mul3A_577, %add3A_578 : i32
        %dma_start3A_580 = arith.constant 7 : i32
        %dma_start3A_581 = arith.constant 0 : i32
        %dma_start3A_582 = arith.constant 0 : i32
        %dma_start3A_583 = tpu.memref_slice %arg6[%dma_start3A_580, %dma_start3A_581, %dma_start3A_582] : memref<8x50x32xf32, #tpu.memory_space<vmem>> -> memref<1x50x32xf32, #tpu.memory_space<vmem>>
        %dma_start3A_584 = tpu.memref_squeeze %dma_start3A_583 : memref<1x50x32xf32, #tpu.memory_space<vmem>> -> memref<50x32xf32, #tpu.memory_space<vmem>>
        %dma_start3A_585 = arith.constant 0 : i32
        %dma_start3A_586 = tpu.memref_slice %arg5[%add3A_579, %dma_start3A_585] : memref<512x50xi32, #tpu.memory_space<vmem>> -> memref<1x50xi32, #tpu.memory_space<vmem>>
        %dma_start3A_587 = tpu.memref_squeeze %dma_start3A_586 : memref<1x50xi32, #tpu.memory_space<vmem>> -> memref<50xi32, #tpu.memory_space<vmem>>
        %dma_start3A_588 = arith.constant 0 : i32
        %dma_start3A_589 = arith.constant 0 : i32
        %dma_start3A_590 = tpu.memref_slice %arg3[%dma_start3A_588, %dma_start3A_589] : memref<1000000x32xf32, #tpu.memory_space<hbm>> -> memref<1000000x32xf32, #tpu.memory_space<hbm>>
        tpu.enqueue_indirect_dma source(%dma_start3A_590 : memref<1000000x32xf32, #tpu.memory_space<hbm>>) target(%dma_start3A_584 : memref<50x32xf32, #tpu.memory_space<vmem>>) offsets(%dma_start3A_587 : memref<50xi32, #tpu.memory_space<vmem>>) semaphore(%arg10 : memref<!tpu.dma_semaphore, #tpu.memory_space<semaphore_mem>>)
      } else {
      }
      %dma_wait3A_338 = arith.constant 0 : i32
      %dma_wait3A_339 = arith.constant 0 : i32
      %dma_wait3A_340 = arith.constant 0 : i32
      %dma_wait3A_341 = arith.constant 0 : i32
      %dma_wait3A_342 = tpu.memref_slice %arg7[%dma_wait3A_339, %dma_wait3A_340, %dma_wait3A_341] : memref<8x50x32xf32, #tpu.memory_space<vmem>> -> memref<1x50x32xf32, #tpu.memory_space<vmem>>
      %dma_wait3A_343 = tpu.memref_squeeze %dma_wait3A_342 : memref<1x50x32xf32, #tpu.memory_space<vmem>> -> memref<50x32xf32, #tpu.memory_space<vmem>>
      %dma_wait3A_344 = arith.constant 0 : i32
      %dma_wait3A_345 = tpu.memref_slice %arg5[%dma_wait3A_338, %dma_wait3A_344] : memref<512x50xi32, #tpu.memory_space<vmem>> -> memref<1x50xi32, #tpu.memory_space<vmem>>
      %dma_wait3A_346 = tpu.memref_squeeze %dma_wait3A_345 : memref<1x50xi32, #tpu.memory_space<vmem>> -> memref<50xi32, #tpu.memory_space<vmem>>
      %dma_wait3A_347 = arith.constant 0 : i32
      %dma_wait3A_348 = arith.constant 0 : i32
      %dma_wait3A_349 = tpu.memref_slice %arg3[%dma_wait3A_347, %dma_wait3A_348] : memref<1000000x32xf32, #tpu.memory_space<hbm>> -> memref<1000000x32xf32, #tpu.memory_space<hbm>>
      tpu.wait_indirect_dma semaphore(%arg11 : memref<!tpu.dma_semaphore, #tpu.memory_space<semaphore_mem>>) src(%dma_wait3A_349 : memref<1000000x32xf32, #tpu.memory_space<hbm>>) dst(%dma_wait3A_343 : memref<50x32xf32, #tpu.memory_space<vmem>>)
      %dma_wait3A_350 = arith.constant 1 : i32
      %dma_wait3A_351 = arith.constant 1 : i32
      %dma_wait3A_352 = arith.constant 0 : i32
      %dma_wait3A_353 = arith.constant 0 : i32
      %dma_wait3A_354 = tpu.memref_slice %arg7[%dma_wait3A_351, %dma_wait3A_352, %dma_wait3A_353] : memref<8x50x32xf32, #tpu.memory_space<vmem>> -> memref<1x50x32xf32, #tpu.memory_space<vmem>>
      %dma_wait3A_355 = tpu.memref_squeeze %dma_wait3A_354 : memref<1x50x32xf32, #tpu.memory_space<vmem>> -> memref<50x32xf32, #tpu.memory_space<vmem>>
      %dma_wait3A_356 = arith.constant 0 : i32
      %dma_wait3A_357 = tpu.memref_slice %arg5[%dma_wait3A_350, %dma_wait3A_356] : memref<512x50xi32, #tpu.memory_space<vmem>> -> memref<1x50xi32, #tpu.memory_space<vmem>>
      %dma_wait3A_358 = tpu.memref_squeeze %dma_wait3A_357 : memref<1x50xi32, #tpu.memory_space<vmem>> -> memref<50xi32, #tpu.memory_space<vmem>>
      %dma_wait3A_359 = arith.constant 0 : i32
      %dma_wait3A_360 = arith.constant 0 : i32
      %dma_wait3A_361 = tpu.memref_slice %arg3[%dma_wait3A_359, %dma_wait3A_360] : memref<1000000x32xf32, #tpu.memory_space<hbm>> -> memref<1000000x32xf32, #tpu.memory_space<hbm>>
      tpu.wait_indirect_dma semaphore(%arg11 : memref<!tpu.dma_semaphore, #tpu.memory_space<semaphore_mem>>) src(%dma_wait3A_361 : memref<1000000x32xf32, #tpu.memory_space<hbm>>) dst(%dma_wait3A_355 : memref<50x32xf32, #tpu.memory_space<vmem>>)
      %dma_wait3A_362 = arith.constant 2 : i32
      %dma_wait3A_363 = arith.constant 2 : i32
      %dma_wait3A_364 = arith.constant 0 : i32
      %dma_wait3A_365 = arith.constant 0 : i32
      %dma_wait3A_366 = tpu.memref_slice %arg7[%dma_wait3A_363, %dma_wait3A_364, %dma_wait3A_365] : memref<8x50x32xf32, #tpu.memory_space<vmem>> -> memref<1x50x32xf32, #tpu.memory_space<vmem>>
      %dma_wait3A_367 = tpu.memref_squeeze %dma_wait3A_366 : memref<1x50x32xf32, #tpu.memory_space<vmem>> -> memref<50x32xf32, #tpu.memory_space<vmem>>
      %dma_wait3A_368 = arith.constant 0 : i32
      %dma_wait3A_369 = tpu.memref_slice %arg5[%dma_wait3A_362, %dma_wait3A_368] : memref<512x50xi32, #tpu.memory_space<vmem>> -> memref<1x50xi32, #tpu.memory_space<vmem>>
      %dma_wait3A_370 = tpu.memref_squeeze %dma_wait3A_369 : memref<1x50xi32, #tpu.memory_space<vmem>> -> memref<50xi32, #tpu.memory_space<vmem>>
      %dma_wait3A_371 = arith.constant 0 : i32
      %dma_wait3A_372 = arith.constant 0 : i32
      %dma_wait3A_373 = tpu.memref_slice %arg3[%dma_wait3A_371, %dma_wait3A_372] : memref<1000000x32xf32, #tpu.memory_space<hbm>> -> memref<1000000x32xf32, #tpu.memory_space<hbm>>
      tpu.wait_indirect_dma semaphore(%arg11 : memref<!tpu.dma_semaphore, #tpu.memory_space<semaphore_mem>>) src(%dma_wait3A_373 : memref<1000000x32xf32, #tpu.memory_space<hbm>>) dst(%dma_wait3A_367 : memref<50x32xf32, #tpu.memory_space<vmem>>)
      %dma_wait3A_374 = arith.constant 3 : i32
      %dma_wait3A_375 = arith.constant 3 : i32
      %dma_wait3A_376 = arith.constant 0 : i32
      %dma_wait3A_377 = arith.constant 0 : i32
      %dma_wait3A_378 = tpu.memref_slice %arg7[%dma_wait3A_375, %dma_wait3A_376, %dma_wait3A_377] : memref<8x50x32xf32, #tpu.memory_space<vmem>> -> memref<1x50x32xf32, #tpu.memory_space<vmem>>
      %dma_wait3A_379 = tpu.memref_squeeze %dma_wait3A_378 : memref<1x50x32xf32, #tpu.memory_space<vmem>> -> memref<50x32xf32, #tpu.memory_space<vmem>>
      %dma_wait3A_380 = arith.constant 0 : i32
      %dma_wait3A_381 = tpu.memref_slice %arg5[%dma_wait3A_374, %dma_wait3A_380] : memref<512x50xi32, #tpu.memory_space<vmem>> -> memref<1x50xi32, #tpu.memory_space<vmem>>
      %dma_wait3A_382 = tpu.memref_squeeze %dma_wait3A_381 : memref<1x50xi32, #tpu.memory_space<vmem>> -> memref<50xi32, #tpu.memory_space<vmem>>
      %dma_wait3A_383 = arith.constant 0 : i32
      %dma_wait3A_384 = arith.constant 0 : i32
      %dma_wait3A_385 = tpu.memref_slice %arg3[%dma_wait3A_383, %dma_wait3A_384] : memref<1000000x32xf32, #tpu.memory_space<hbm>> -> memref<1000000x32xf32, #tpu.memory_space<hbm>>
      tpu.wait_indirect_dma semaphore(%arg11 : memref<!tpu.dma_semaphore, #tpu.memory_space<semaphore_mem>>) src(%dma_wait3A_385 : memref<1000000x32xf32, #tpu.memory_space<hbm>>) dst(%dma_wait3A_379 : memref<50x32xf32, #tpu.memory_space<vmem>>)
      %dma_wait3A_386 = arith.constant 4 : i32
      %dma_wait3A_387 = arith.constant 4 : i32
      %dma_wait3A_388 = arith.constant 0 : i32
      %dma_wait3A_389 = arith.constant 0 : i32
      %dma_wait3A_390 = tpu.memref_slice %arg7[%dma_wait3A_387, %dma_wait3A_388, %dma_wait3A_389] : memref<8x50x32xf32, #tpu.memory_space<vmem>> -> memref<1x50x32xf32, #tpu.memory_space<vmem>>
      %dma_wait3A_391 = tpu.memref_squeeze %dma_wait3A_390 : memref<1x50x32xf32, #tpu.memory_space<vmem>> -> memref<50x32xf32, #tpu.memory_space<vmem>>
      %dma_wait3A_392 = arith.constant 0 : i32
      %dma_wait3A_393 = tpu.memref_slice %arg5[%dma_wait3A_386, %dma_wait3A_392] : memref<512x50xi32, #tpu.memory_space<vmem>> -> memref<1x50xi32, #tpu.memory_space<vmem>>
      %dma_wait3A_394 = tpu.memref_squeeze %dma_wait3A_393 : memref<1x50xi32, #tpu.memory_space<vmem>> -> memref<50xi32, #tpu.memory_space<vmem>>
      %dma_wait3A_395 = arith.constant 0 : i32
      %dma_wait3A_396 = arith.constant 0 : i32
      %dma_wait3A_397 = tpu.memref_slice %arg3[%dma_wait3A_395, %dma_wait3A_396] : memref<1000000x32xf32, #tpu.memory_space<hbm>> -> memref<1000000x32xf32, #tpu.memory_space<hbm>>
      tpu.wait_indirect_dma semaphore(%arg11 : memref<!tpu.dma_semaphore, #tpu.memory_space<semaphore_mem>>) src(%dma_wait3A_397 : memref<1000000x32xf32, #tpu.memory_space<hbm>>) dst(%dma_wait3A_391 : memref<50x32xf32, #tpu.memory_space<vmem>>)
      %dma_wait3A_398 = arith.constant 5 : i32
      %dma_wait3A_399 = arith.constant 5 : i32
      %dma_wait3A_400 = arith.constant 0 : i32
      %dma_wait3A_401 = arith.constant 0 : i32
      %dma_wait3A_402 = tpu.memref_slice %arg7[%dma_wait3A_399, %dma_wait3A_400, %dma_wait3A_401] : memref<8x50x32xf32, #tpu.memory_space<vmem>> -> memref<1x50x32xf32, #tpu.memory_space<vmem>>
      %dma_wait3A_403 = tpu.memref_squeeze %dma_wait3A_402 : memref<1x50x32xf32, #tpu.memory_space<vmem>> -> memref<50x32xf32, #tpu.memory_space<vmem>>
      %dma_wait3A_404 = arith.constant 0 : i32
      %dma_wait3A_405 = tpu.memref_slice %arg5[%dma_wait3A_398, %dma_wait3A_404] : memref<512x50xi32, #tpu.memory_space<vmem>> -> memref<1x50xi32, #tpu.memory_space<vmem>>
      %dma_wait3A_406 = tpu.memref_squeeze %dma_wait3A_405 : memref<1x50xi32, #tpu.memory_space<vmem>> -> memref<50xi32, #tpu.memory_space<vmem>>
      %dma_wait3A_407 = arith.constant 0 : i32
      %dma_wait3A_408 = arith.constant 0 : i32
      %dma_wait3A_409 = tpu.memref_slice %arg3[%dma_wait3A_407, %dma_wait3A_408] : memref<1000000x32xf32, #tpu.memory_space<hbm>> -> memref<1000000x32xf32, #tpu.memory_space<hbm>>
      tpu.wait_indirect_dma semaphore(%arg11 : memref<!tpu.dma_semaphore, #tpu.memory_space<semaphore_mem>>) src(%dma_wait3A_409 : memref<1000000x32xf32, #tpu.memory_space<hbm>>) dst(%dma_wait3A_403 : memref<50x32xf32, #tpu.memory_space<vmem>>)
      %dma_wait3A_410 = arith.constant 6 : i32
      %dma_wait3A_411 = arith.constant 6 : i32
      %dma_wait3A_412 = arith.constant 0 : i32
      %dma_wait3A_413 = arith.constant 0 : i32
      %dma_wait3A_414 = tpu.memref_slice %arg7[%dma_wait3A_411, %dma_wait3A_412, %dma_wait3A_413] : memref<8x50x32xf32, #tpu.memory_space<vmem>> -> memref<1x50x32xf32, #tpu.memory_space<vmem>>
      %dma_wait3A_415 = tpu.memref_squeeze %dma_wait3A_414 : memref<1x50x32xf32, #tpu.memory_space<vmem>> -> memref<50x32xf32, #tpu.memory_space<vmem>>
      %dma_wait3A_416 = arith.constant 0 : i32
      %dma_wait3A_417 = tpu.memref_slice %arg5[%dma_wait3A_410, %dma_wait3A_416] : memref<512x50xi32, #tpu.memory_space<vmem>> -> memref<1x50xi32, #tpu.memory_space<vmem>>
      %dma_wait3A_418 = tpu.memref_squeeze %dma_wait3A_417 : memref<1x50xi32, #tpu.memory_space<vmem>> -> memref<50xi32, #tpu.memory_space<vmem>>
      %dma_wait3A_419 = arith.constant 0 : i32
      %dma_wait3A_420 = arith.constant 0 : i32
      %dma_wait3A_421 = tpu.memref_slice %arg3[%dma_wait3A_419, %dma_wait3A_420] : memref<1000000x32xf32, #tpu.memory_space<hbm>> -> memref<1000000x32xf32, #tpu.memory_space<hbm>>
      tpu.wait_indirect_dma semaphore(%arg11 : memref<!tpu.dma_semaphore, #tpu.memory_space<semaphore_mem>>) src(%dma_wait3A_421 : memref<1000000x32xf32, #tpu.memory_space<hbm>>) dst(%dma_wait3A_415 : memref<50x32xf32, #tpu.memory_space<vmem>>)
      %dma_wait3A_422 = arith.constant 7 : i32
      %dma_wait3A_423 = arith.constant 7 : i32
      %dma_wait3A_424 = arith.constant 0 : i32
      %dma_wait3A_425 = arith.constant 0 : i32
      %dma_wait3A_426 = tpu.memref_slice %arg7[%dma_wait3A_423, %dma_wait3A_424, %dma_wait3A_425] : memref<8x50x32xf32, #tpu.memory_space<vmem>> -> memref<1x50x32xf32, #tpu.memory_space<vmem>>
      %dma_wait3A_427 = tpu.memref_squeeze %dma_wait3A_426 : memref<1x50x32xf32, #tpu.memory_space<vmem>> -> memref<50x32xf32, #tpu.memory_space<vmem>>
      %dma_wait3A_428 = arith.constant 0 : i32
      %dma_wait3A_429 = tpu.memref_slice %arg5[%dma_wait3A_422, %dma_wait3A_428] : memref<512x50xi32, #tpu.memory_space<vmem>> -> memref<1x50xi32, #tpu.memory_space<vmem>>
      %dma_wait3A_430 = tpu.memref_squeeze %dma_wait3A_429 : memref<1x50xi32, #tpu.memory_space<vmem>> -> memref<50xi32, #tpu.memory_space<vmem>>
      %dma_wait3A_431 = arith.constant 0 : i32
      %dma_wait3A_432 = arith.constant 0 : i32
      %dma_wait3A_433 = tpu.memref_slice %arg3[%dma_wait3A_431, %dma_wait3A_432] : memref<1000000x32xf32, #tpu.memory_space<hbm>> -> memref<1000000x32xf32, #tpu.memory_space<hbm>>
      tpu.wait_indirect_dma semaphore(%arg11 : memref<!tpu.dma_semaphore, #tpu.memory_space<semaphore_mem>>) src(%dma_wait3A_433 : memref<1000000x32xf32, #tpu.memory_space<hbm>>) dst(%dma_wait3A_427 : memref<50x32xf32, #tpu.memory_space<vmem>>)
      %add3A_434 = arith.constant 1 : i32
      %add3A_435 = arith.addi %mul3A_212, %add3A_434 : i32
      %ge3A_436 = arith.constant 2 : i32
      %ge3A_437 = arith.cmpi sge, %add3A_435, %ge3A_436 : i32
      %convert_element_type3A_438 = arith.extui %ge3A_437 : i1 to i32
      %cond3A_439 = arith.constant 0 : i32
      %cond3A_440 = arith.cmpi ne, %convert_element_type3A_438, %cond3A_439 : i32
      scf.if %cond3A_440 {
        %dma_wait3A_467 = arith.constant 0 : i32
        %dma_wait3A_468 = arith.constant 0 : i32
        %dma_wait3A_469 = tpu.memref_slice %arg4[%mul3A_2, %dma_wait3A_467, %dma_wait3A_468] : memref<16384x50x32xf32, #tpu.memory_space<hbm>> -> memref<8x50x32xf32, #tpu.memory_space<hbm>>
        %dma_wait3A_470 = arith.constant 0 : i32
        %dma_wait3A_471 = arith.constant 0 : i32
        %dma_wait3A_472 = tpu.memref_slice %arg4[%mul3A_2, %dma_wait3A_470, %dma_wait3A_471] : memref<16384x50x32xf32, #tpu.memory_space<hbm>> -> memref<8x50x32xf32, #tpu.memory_space<hbm>>
        tpu.wait_dma2 semaphore(%arg13 : memref<!tpu.dma_semaphore, #tpu.memory_space<semaphore_mem>>) src(%arg9 : memref<8x50x32xf32, #tpu.memory_space<vmem>>) dst(%dma_wait3A_472 : memref<8x50x32xf32, #tpu.memory_space<hbm>>)
      } else {
      }
      %scan3A_441 = arith.constant 0 : i32
      %scan3A_442 = arith.constant 0 : i32
      %scan3A_443 = arith.constant 50 : i32
      %scan3A_444 = arith.addi %scan3A_442, %scan3A_443 : i32
      %scan3A_445 = arith.constant 1 : i32
      scf.for %scan3A_467 = %scan3A_442 to %scan3A_444 step %scan3A_445  : i32 {
        %get3A = arith.constant 0 : i32
        %get3A_468 = arith.index_cast %get3A : i32 to index
        %get3A_469 = arith.index_cast %scan3A_467 : i32 to index
        %get3A_470 = arith.constant 0 : index
        %get3A_471 = tpu.vector_load %arg7[%get3A_468, %get3A_469, %get3A_470] {strides = array<i32>} : memref<8x50x32xf32, #tpu.memory_space<vmem>>, vector<1x1x16xf32>,
        %get3A_472 = vector.shape_cast %get3A_471 : vector<1x1x16xf32> to vector<16xf32>
        %get3A_473 = arith.constant 0 : i32
        %get3A_474 = arith.index_cast %get3A_473 : i32 to index
        %get3A_475 = arith.index_cast %scan3A_467 : i32 to index
        %get3A_476 = arith.constant 16 : index
        %get3A_477 = tpu.vector_load %arg7[%get3A_474, %get3A_475, %get3A_476] {strides = array<i32>} : memref<8x50x32xf32, #tpu.memory_space<vmem>>, vector<1x1x16xf32>,
        %get3A_478 = vector.shape_cast %get3A_477 : vector<1x1x16xf32> to vector<16xf32>
        %max3A = arith.constant 0.000000e+00 : f32
        %max3A_479 = vector.broadcast %max3A : f32 to vector<16xf32>
        %max3A_480 = arith.maximumf %get3A_472, %max3A_479 : vector<16xf32>
        %swap3A = arith.constant 0 : i32
        %swap3A_481 = arith.index_cast %swap3A : i32 to index
        %swap3A_482 = arith.index_cast %scan3A_467 : i32 to index
        %swap3A_483 = arith.constant 0 : index
        %swap3A_484 = tpu.vector_load %arg9[%swap3A_481, %swap3A_482, %swap3A_483] {strides = array<i32>} : memref<8x50x32xf32, #tpu.memory_space<vmem>>, vector<1x1x16xf32>,
        %swap3A_485 = vector.shape_cast %swap3A_484 : vector<1x1x16xf32> to vector<16xf32>
        %swap3A_486 = vector.shape_cast %max3A_480 : vector<16xf32> to vector<1x1x16xf32>
        tpu.vector_store %arg9[%swap3A_481, %swap3A_482, %swap3A_483], %swap3A_486 {strides = array<i32>} : memref<8x50x32xf32, #tpu.memory_space<vmem>>, vector<1x1x16xf32>,
        %max3A_487 = arith.constant 0.000000e+00 : f32
        %max3A_488 = vector.broadcast %max3A_487 : f32 to vector<16xf32>
        %max3A_489 = arith.maximumf %get3A_478, %max3A_488 : vector<16xf32>
        %swap3A_490 = arith.constant 0 : i32
        %swap3A_491 = arith.index_cast %swap3A_490 : i32 to index
        %swap3A_492 = arith.index_cast %scan3A_467 : i32 to index
        %swap3A_493 = arith.constant 16 : index
        %swap3A_494 = tpu.vector_load %arg9[%swap3A_491, %swap3A_492, %swap3A_493] {strides = array<i32>} : memref<8x50x32xf32, #tpu.memory_space<vmem>>, vector<1x1x16xf32>,
        %swap3A_495 = vector.shape_cast %swap3A_494 : vector<1x1x16xf32> to vector<16xf32>
        %swap3A_496 = vector.shape_cast %max3A_489 : vector<16xf32> to vector<1x1x16xf32>
        tpu.vector_store %arg9[%swap3A_491, %swap3A_492, %swap3A_493], %swap3A_496 {strides = array<i32>} : memref<8x50x32xf32, #tpu.memory_space<vmem>>, vector<1x1x16xf32>,
        %get3A_497 = arith.constant 1 : i32
        %get3A_498 = arith.index_cast %get3A_497 : i32 to index
        %get3A_499 = arith.index_cast %scan3A_467 : i32 to index
        %get3A_500 = arith.constant 0 : index
        %get3A_501 = tpu.vector_load %arg7[%get3A_498, %get3A_499, %get3A_500] {strides = array<i32>} : memref<8x50x32xf32, #tpu.memory_space<vmem>>, vector<1x1x16xf32>,
        %get3A_502 = vector.shape_cast %get3A_501 : vector<1x1x16xf32> to vector<16xf32>
        %get3A_503 = arith.constant 1 : i32
        %get3A_504 = arith.index_cast %get3A_503 : i32 to index
        %get3A_505 = arith.index_cast %scan3A_467 : i32 to index
        %get3A_506 = arith.constant 16 : index
        %get3A_507 = tpu.vector_load %arg7[%get3A_504, %get3A_505, %get3A_506] {strides = array<i32>} : memref<8x50x32xf32, #tpu.memory_space<vmem>>, vector<1x1x16xf32>,
        %get3A_508 = vector.shape_cast %get3A_507 : vector<1x1x16xf32> to vector<16xf32>
        %max3A_509 = arith.constant 0.000000e+00 : f32
        %max3A_510 = vector.broadcast %max3A_509 : f32 to vector<16xf32>
        %max3A_511 = arith.maximumf %get3A_502, %max3A_510 : vector<16xf32>
        %swap3A_512 = arith.constant 1 : i32
        %swap3A_513 = arith.index_cast %swap3A_512 : i32 to index
        %swap3A_514 = arith.index_cast %scan3A_467 : i32 to index
        %swap3A_515 = arith.constant 0 : index
        %swap3A_516 = tpu.vector_load %arg9[%swap3A_513, %swap3A_514, %swap3A_515] {strides = array<i32>} : memref<8x50x32xf32, #tpu.memory_space<vmem>>, vector<1x1x16xf32>,
        %swap3A_517 = vector.shape_cast %swap3A_516 : vector<1x1x16xf32> to vector<16xf32>
        %swap3A_518 = vector.shape_cast %max3A_511 : vector<16xf32> to vector<1x1x16xf32>
        tpu.vector_store %arg9[%swap3A_513, %swap3A_514, %swap3A_515], %swap3A_518 {strides = array<i32>} : memref<8x50x32xf32, #tpu.memory_space<vmem>>, vector<1x1x16xf32>,
        %max3A_519 = arith.constant 0.000000e+00 : f32
        %max3A_520 = vector.broadcast %max3A_519 : f32 to vector<16xf32>
        %max3A_521 = arith.maximumf %get3A_508, %max3A_520 : vector<16xf32>
        %swap3A_522 = arith.constant 1 : i32
        %swap3A_523 = arith.index_cast %swap3A_522 : i32 to index
        %swap3A_524 = arith.index_cast %scan3A_467 : i32 to index
        %swap3A_525 = arith.constant 16 : index
        %swap3A_526 = tpu.vector_load %arg9[%swap3A_523, %swap3A_524, %swap3A_525] {strides = array<i32>} : memref<8x50x32xf32, #tpu.memory_space<vmem>>, vector<1x1x16xf32>,
        %swap3A_527 = vector.shape_cast %swap3A_526 : vector<1x1x16xf32> to vector<16xf32>
        %swap3A_528 = vector.shape_cast %max3A_521 : vector<16xf32> to vector<1x1x16xf32>
        tpu.vector_store %arg9[%swap3A_523, %swap3A_524, %swap3A_525], %swap3A_528 {strides = array<i32>} : memref<8x50x32xf32, #tpu.memory_space<vmem>>, vector<1x1x16xf32>,
        %get3A_529 = arith.constant 2 : i32
        %get3A_530 = arith.index_cast %get3A_529 : i32 to index
        %get3A_531 = arith.index_cast %scan3A_467 : i32 to index
        %get3A_532 = arith.constant 0 : index
        %get3A_533 = tpu.vector_load %arg7[%get3A_530, %get3A_531, %get3A_532] {strides = array<i32>} : memref<8x50x32xf32, #tpu.memory_space<vmem>>, vector<1x1x16xf32>,
        %get3A_534 = vector.shape_cast %get3A_533 : vector<1x1x16xf32> to vector<16xf32>
        %get3A_535 = arith.constant 2 : i32
        %get3A_536 = arith.index_cast %get3A_535 : i32 to index
        %get3A_537 = arith.index_cast %scan3A_467 : i32 to index
        %get3A_538 = arith.constant 16 : index
        %get3A_539 = tpu.vector_load %arg7[%get3A_536, %get3A_537, %get3A_538] {strides = array<i32>} : memref<8x50x32xf32, #tpu.memory_space<vmem>>, vector<1x1x16xf32>,
        %get3A_540 = vector.shape_cast %get3A_539 : vector<1x1x16xf32> to vector<16xf32>
        %max3A_541 = arith.constant 0.000000e+00 : f32
        %max3A_542 = vector.broadcast %max3A_541 : f32 to vector<16xf32>
        %max3A_543 = arith.maximumf %get3A_534, %max3A_542 : vector<16xf32>
        %swap3A_544 = arith.constant 2 : i32
        %swap3A_545 = arith.index_cast %swap3A_544 : i32 to index
        %swap3A_546 = arith.index_cast %scan3A_467 : i32 to index
        %swap3A_547 = arith.constant 0 : index
        %swap3A_548 = tpu.vector_load %arg9[%swap3A_545, %swap3A_546, %swap3A_547] {strides = array<i32>} : memref<8x50x32xf32, #tpu.memory_space<vmem>>, vector<1x1x16xf32>,
        %swap3A_549 = vector.shape_cast %swap3A_548 : vector<1x1x16xf32> to vector<16xf32>
        %swap3A_550 = vector.shape_cast %max3A_543 : vector<16xf32> to vector<1x1x16xf32>
        tpu.vector_store %arg9[%swap3A_545, %swap3A_546, %swap3A_547], %swap3A_550 {strides = array<i32>} : memref<8x50x32xf32, #tpu.memory_space<vmem>>, vector<1x1x16xf32>,
        %max3A_551 = arith.constant 0.000000e+00 : f32
        %max3A_552 = vector.broadcast %max3A_551 : f32 to vector<16xf32>
        %max3A_553 = arith.maximumf %get3A_540, %max3A_552 : vector<16xf32>
        %swap3A_554 = arith.constant 2 : i32
        %swap3A_555 = arith.index_cast %swap3A_554 : i32 to index
        %swap3A_556 = arith.index_cast %scan3A_467 : i32 to index
        %swap3A_557 = arith.constant 16 : index
        %swap3A_558 = tpu.vector_load %arg9[%swap3A_555, %swap3A_556, %swap3A_557] {strides = array<i32>} : memref<8x50x32xf32, #tpu.memory_space<vmem>>, vector<1x1x16xf32>,
        %swap3A_559 = vector.shape_cast %swap3A_558 : vector<1x1x16xf32> to vector<16xf32>
        %swap3A_560 = vector.shape_cast %max3A_553 : vector<16xf32> to vector<1x1x16xf32>
        tpu.vector_store %arg9[%swap3A_555, %swap3A_556, %swap3A_557], %swap3A_560 {strides = array<i32>} : memref<8x50x32xf32, #tpu.memory_space<vmem>>, vector<1x1x16xf32>,
        %get3A_561 = arith.constant 3 : i32
        %get3A_562 = arith.index_cast %get3A_561 : i32 to index
        %get3A_563 = arith.index_cast %scan3A_467 : i32 to index
        %get3A_564 = arith.constant 0 : index
        %get3A_565 = tpu.vector_load %arg7[%get3A_562, %get3A_563, %get3A_564] {strides = array<i32>} : memref<8x50x32xf32, #tpu.memory_space<vmem>>, vector<1x1x16xf32>,
        %get3A_566 = vector.shape_cast %get3A_565 : vector<1x1x16xf32> to vector<16xf32>
        %get3A_567 = arith.constant 3 : i32
        %get3A_568 = arith.index_cast %get3A_567 : i32 to index
        %get3A_569 = arith.index_cast %scan3A_467 : i32 to index
        %get3A_570 = arith.constant 16 : index
        %get3A_571 = tpu.vector_load %arg7[%get3A_568, %get3A_569, %get3A_570] {strides = array<i32>} : memref<8x50x32xf32, #tpu.memory_space<vmem>>, vector<1x1x16xf32>,
        %get3A_572 = vector.shape_cast %get3A_571 : vector<1x1x16xf32> to vector<16xf32>
        %max3A_573 = arith.constant 0.000000e+00 : f32
        %max3A_574 = vector.broadcast %max3A_573 : f32 to vector<16xf32>
        %max3A_575 = arith.maximumf %get3A_566, %max3A_574 : vector<16xf32>
        %swap3A_576 = arith.constant 3 : i32
        %swap3A_577 = arith.index_cast %swap3A_576 : i32 to index
        %swap3A_578 = arith.index_cast %scan3A_467 : i32 to index
        %swap3A_579 = arith.constant 0 : index
        %swap3A_580 = tpu.vector_load %arg9[%swap3A_577, %swap3A_578, %swap3A_579] {strides = array<i32>} : memref<8x50x32xf32, #tpu.memory_space<vmem>>, vector<1x1x16xf32>,
        %swap3A_581 = vector.shape_cast %swap3A_580 : vector<1x1x16xf32> to vector<16xf32>
        %swap3A_582 = vector.shape_cast %max3A_575 : vector<16xf32> to vector<1x1x16xf32>
        tpu.vector_store %arg9[%swap3A_577, %swap3A_578, %swap3A_579], %swap3A_582 {strides = array<i32>} : memref<8x50x32xf32, #tpu.memory_space<vmem>>, vector<1x1x16xf32>,
        %max3A_583 = arith.constant 0.000000e+00 : f32
        %max3A_584 = vector.broadcast %max3A_583 : f32 to vector<16xf32>
        %max3A_585 = arith.maximumf %get3A_572, %max3A_584 : vector<16xf32>
        %swap3A_586 = arith.constant 3 : i32
        %swap3A_587 = arith.index_cast %swap3A_586 : i32 to index
        %swap3A_588 = arith.index_cast %scan3A_467 : i32 to index
        %swap3A_589 = arith.constant 16 : index
        %swap3A_590 = tpu.vector_load %arg9[%swap3A_587, %swap3A_588, %swap3A_589] {strides = array<i32>} : memref<8x50x32xf32, #tpu.memory_space<vmem>>, vector<1x1x16xf32>,
        %swap3A_591 = vector.shape_cast %swap3A_590 : vector<1x1x16xf32> to vector<16xf32>
        %swap3A_592 = vector.shape_cast %max3A_585 : vector<16xf32> to vector<1x1x16xf32>
        tpu.vector_store %arg9[%swap3A_587, %swap3A_588, %swap3A_589], %swap3A_592 {strides = array<i32>} : memref<8x50x32xf32, #tpu.memory_space<vmem>>, vector<1x1x16xf32>,
        %get3A_593 = arith.constant 4 : i32
        %get3A_594 = arith.index_cast %get3A_593 : i32 to index
        %get3A_595 = arith.index_cast %scan3A_467 : i32 to index
        %get3A_596 = arith.constant 0 : index
        %get3A_597 = tpu.vector_load %arg7[%get3A_594, %get3A_595, %get3A_596] {strides = array<i32>} : memref<8x50x32xf32, #tpu.memory_space<vmem>>, vector<1x1x16xf32>,
        %get3A_598 = vector.shape_cast %get3A_597 : vector<1x1x16xf32> to vector<16xf32>
        %get3A_599 = arith.constant 4 : i32
        %get3A_600 = arith.index_cast %get3A_599 : i32 to index
        %get3A_601 = arith.index_cast %scan3A_467 : i32 to index
        %get3A_602 = arith.constant 16 : index
        %get3A_603 = tpu.vector_load %arg7[%get3A_600, %get3A_601, %get3A_602] {strides = array<i32>} : memref<8x50x32xf32, #tpu.memory_space<vmem>>, vector<1x1x16xf32>,
        %get3A_604 = vector.shape_cast %get3A_603 : vector<1x1x16xf32> to vector<16xf32>
        %max3A_605 = arith.constant 0.000000e+00 : f32
        %max3A_606 = vector.broadcast %max3A_605 : f32 to vector<16xf32>
        %max3A_607 = arith.maximumf %get3A_598, %max3A_606 : vector<16xf32>
        %swap3A_608 = arith.constant 4 : i32
        %swap3A_609 = arith.index_cast %swap3A_608 : i32 to index
        %swap3A_610 = arith.index_cast %scan3A_467 : i32 to index
        %swap3A_611 = arith.constant 0 : index
        %swap3A_612 = tpu.vector_load %arg9[%swap3A_609, %swap3A_610, %swap3A_611] {strides = array<i32>} : memref<8x50x32xf32, #tpu.memory_space<vmem>>, vector<1x1x16xf32>,
        %swap3A_613 = vector.shape_cast %swap3A_612 : vector<1x1x16xf32> to vector<16xf32>
        %swap3A_614 = vector.shape_cast %max3A_607 : vector<16xf32> to vector<1x1x16xf32>
        tpu.vector_store %arg9[%swap3A_609, %swap3A_610, %swap3A_611], %swap3A_614 {strides = array<i32>} : memref<8x50x32xf32, #tpu.memory_space<vmem>>, vector<1x1x16xf32>,
        %max3A_615 = arith.constant 0.000000e+00 : f32
        %max3A_616 = vector.broadcast %max3A_615 : f32 to vector<16xf32>
        %max3A_617 = arith.maximumf %get3A_604, %max3A_616 : vector<16xf32>
        %swap3A_618 = arith.constant 4 : i32
        %swap3A_619 = arith.index_cast %swap3A_618 : i32 to index
        %swap3A_620 = arith.index_cast %scan3A_467 : i32 to index
        %swap3A_621 = arith.constant 16 : index
        %swap3A_622 = tpu.vector_load %arg9[%swap3A_619, %swap3A_620, %swap3A_621] {strides = array<i32>} : memref<8x50x32xf32, #tpu.memory_space<vmem>>, vector<1x1x16xf32>,
        %swap3A_623 = vector.shape_cast %swap3A_622 : vector<1x1x16xf32> to vector<16xf32>
        %swap3A_624 = vector.shape_cast %max3A_617 : vector<16xf32> to vector<1x1x16xf32>
        tpu.vector_store %arg9[%swap3A_619, %swap3A_620, %swap3A_621], %swap3A_624 {strides = array<i32>} : memref<8x50x32xf32, #tpu.memory_space<vmem>>, vector<1x1x16xf32>,
        %get3A_625 = arith.constant 5 : i32
        %get3A_626 = arith.index_cast %get3A_625 : i32 to index
        %get3A_627 = arith.index_cast %scan3A_467 : i32 to index
        %get3A_628 = arith.constant 0 : index
        %get3A_629 = tpu.vector_load %arg7[%get3A_626, %get3A_627, %get3A_628] {strides = array<i32>} : memref<8x50x32xf32, #tpu.memory_space<vmem>>, vector<1x1x16xf32>,
        %get3A_630 = vector.shape_cast %get3A_629 : vector<1x1x16xf32> to vector<16xf32>
        %get3A_631 = arith.constant 5 : i32
        %get3A_632 = arith.index_cast %get3A_631 : i32 to index
        %get3A_633 = arith.index_cast %scan3A_467 : i32 to index
        %get3A_634 = arith.constant 16 : index
        %get3A_635 = tpu.vector_load %arg7[%get3A_632, %get3A_633, %get3A_634] {strides = array<i32>} : memref<8x50x32xf32, #tpu.memory_space<vmem>>, vector<1x1x16xf32>,
        %get3A_636 = vector.shape_cast %get3A_635 : vector<1x1x16xf32> to vector<16xf32>
        %max3A_637 = arith.constant 0.000000e+00 : f32
        %max3A_638 = vector.broadcast %max3A_637 : f32 to vector<16xf32>
        %max3A_639 = arith.maximumf %get3A_630, %max3A_638 : vector<16xf32>
        %swap3A_640 = arith.constant 5 : i32
        %swap3A_641 = arith.index_cast %swap3A_640 : i32 to index
        %swap3A_642 = arith.index_cast %scan3A_467 : i32 to index
        %swap3A_643 = arith.constant 0 : index
        %swap3A_644 = tpu.vector_load %arg9[%swap3A_641, %swap3A_642, %swap3A_643] {strides = array<i32>} : memref<8x50x32xf32, #tpu.memory_space<vmem>>, vector<1x1x16xf32>,
        %swap3A_645 = vector.shape_cast %swap3A_644 : vector<1x1x16xf32> to vector<16xf32>
        %swap3A_646 = vector.shape_cast %max3A_639 : vector<16xf32> to vector<1x1x16xf32>
        tpu.vector_store %arg9[%swap3A_641, %swap3A_642, %swap3A_643], %swap3A_646 {strides = array<i32>} : memref<8x50x32xf32, #tpu.memory_space<vmem>>, vector<1x1x16xf32>,
        %max3A_647 = arith.constant 0.000000e+00 : f32
        %max3A_648 = vector.broadcast %max3A_647 : f32 to vector<16xf32>
        %max3A_649 = arith.maximumf %get3A_636, %max3A_648 : vector<16xf32>
        %swap3A_650 = arith.constant 5 : i32
        %swap3A_651 = arith.index_cast %swap3A_650 : i32 to index
        %swap3A_652 = arith.index_cast %scan3A_467 : i32 to index
        %swap3A_653 = arith.constant 16 : index
        %swap3A_654 = tpu.vector_load %arg9[%swap3A_651, %swap3A_652, %swap3A_653] {strides = array<i32>} : memref<8x50x32xf32, #tpu.memory_space<vmem>>, vector<1x1x16xf32>,
        %swap3A_655 = vector.shape_cast %swap3A_654 : vector<1x1x16xf32> to vector<16xf32>
        %swap3A_656 = vector.shape_cast %max3A_649 : vector<16xf32> to vector<1x1x16xf32>
        tpu.vector_store %arg9[%swap3A_651, %swap3A_652, %swap3A_653], %swap3A_656 {strides = array<i32>} : memref<8x50x32xf32, #tpu.memory_space<vmem>>, vector<1x1x16xf32>,
        %get3A_657 = arith.constant 6 : i32
        %get3A_658 = arith.index_cast %get3A_657 : i32 to index
        %get3A_659 = arith.index_cast %scan3A_467 : i32 to index
        %get3A_660 = arith.constant 0 : index
        %get3A_661 = tpu.vector_load %arg7[%get3A_658, %get3A_659, %get3A_660] {strides = array<i32>} : memref<8x50x32xf32, #tpu.memory_space<vmem>>, vector<1x1x16xf32>,
        %get3A_662 = vector.shape_cast %get3A_661 : vector<1x1x16xf32> to vector<16xf32>
        %get3A_663 = arith.constant 6 : i32
        %get3A_664 = arith.index_cast %get3A_663 : i32 to index
        %get3A_665 = arith.index_cast %scan3A_467 : i32 to index
        %get3A_666 = arith.constant 16 : index
        %get3A_667 = tpu.vector_load %arg7[%get3A_664, %get3A_665, %get3A_666] {strides = array<i32>} : memref<8x50x32xf32, #tpu.memory_space<vmem>>, vector<1x1x16xf32>,
        %get3A_668 = vector.shape_cast %get3A_667 : vector<1x1x16xf32> to vector<16xf32>
        %max3A_669 = arith.constant 0.000000e+00 : f32
        %max3A_670 = vector.broadcast %max3A_669 : f32 to vector<16xf32>
        %max3A_671 = arith.maximumf %get3A_662, %max3A_670 : vector<16xf32>
        %swap3A_672 = arith.constant 6 : i32
        %swap3A_673 = arith.index_cast %swap3A_672 : i32 to index
        %swap3A_674 = arith.index_cast %scan3A_467 : i32 to index
        %swap3A_675 = arith.constant 0 : index
        %swap3A_676 = tpu.vector_load %arg9[%swap3A_673, %swap3A_674, %swap3A_675] {strides = array<i32>} : memref<8x50x32xf32, #tpu.memory_space<vmem>>, vector<1x1x16xf32>,
        %swap3A_677 = vector.shape_cast %swap3A_676 : vector<1x1x16xf32> to vector<16xf32>
        %swap3A_678 = vector.shape_cast %max3A_671 : vector<16xf32> to vector<1x1x16xf32>
        tpu.vector_store %arg9[%swap3A_673, %swap3A_674, %swap3A_675], %swap3A_678 {strides = array<i32>} : memref<8x50x32xf32, #tpu.memory_space<vmem>>, vector<1x1x16xf32>,
        %max3A_679 = arith.constant 0.000000e+00 : f32
        %max3A_680 = vector.broadcast %max3A_679 : f32 to vector<16xf32>
        %max3A_681 = arith.maximumf %get3A_668, %max3A_680 : vector<16xf32>
        %swap3A_682 = arith.constant 6 : i32
        %swap3A_683 = arith.index_cast %swap3A_682 : i32 to index
        %swap3A_684 = arith.index_cast %scan3A_467 : i32 to index
        %swap3A_685 = arith.constant 16 : index
        %swap3A_686 = tpu.vector_load %arg9[%swap3A_683, %swap3A_684, %swap3A_685] {strides = array<i32>} : memref<8x50x32xf32, #tpu.memory_space<vmem>>, vector<1x1x16xf32>,
        %swap3A_687 = vector.shape_cast %swap3A_686 : vector<1x1x16xf32> to vector<16xf32>
        %swap3A_688 = vector.shape_cast %max3A_681 : vector<16xf32> to vector<1x1x16xf32>
        tpu.vector_store %arg9[%swap3A_683, %swap3A_684, %swap3A_685], %swap3A_688 {strides = array<i32>} : memref<8x50x32xf32, #tpu.memory_space<vmem>>, vector<1x1x16xf32>,
        %get3A_689 = arith.constant 7 : i32
        %get3A_690 = arith.index_cast %get3A_689 : i32 to index
        %get3A_691 = arith.index_cast %scan3A_467 : i32 to index
        %get3A_692 = arith.constant 0 : index
        %get3A_693 = tpu.vector_load %arg7[%get3A_690, %get3A_691, %get3A_692] {strides = array<i32>} : memref<8x50x32xf32, #tpu.memory_space<vmem>>, vector<1x1x16xf32>,
        %get3A_694 = vector.shape_cast %get3A_693 : vector<1x1x16xf32> to vector<16xf32>
        %get3A_695 = arith.constant 7 : i32
        %get3A_696 = arith.index_cast %get3A_695 : i32 to index
        %get3A_697 = arith.index_cast %scan3A_467 : i32 to index
        %get3A_698 = arith.constant 16 : index
        %get3A_699 = tpu.vector_load %arg7[%get3A_696, %get3A_697, %get3A_698] {strides = array<i32>} : memref<8x50x32xf32, #tpu.memory_space<vmem>>, vector<1x1x16xf32>,
        %get3A_700 = vector.shape_cast %get3A_699 : vector<1x1x16xf32> to vector<16xf32>
        %max3A_701 = arith.constant 0.000000e+00 : f32
        %max3A_702 = vector.broadcast %max3A_701 : f32 to vector<16xf32>
        %max3A_703 = arith.maximumf %get3A_694, %max3A_702 : vector<16xf32>
        %swap3A_704 = arith.constant 7 : i32
        %swap3A_705 = arith.index_cast %swap3A_704 : i32 to index
        %swap3A_706 = arith.index_cast %scan3A_467 : i32 to index
        %swap3A_707 = arith.constant 0 : index
        %swap3A_708 = tpu.vector_load %arg9[%swap3A_705, %swap3A_706, %swap3A_707] {strides = array<i32>} : memref<8x50x32xf32, #tpu.memory_space<vmem>>, vector<1x1x16xf32>,
        %swap3A_709 = vector.shape_cast %swap3A_708 : vector<1x1x16xf32> to vector<16xf32>
        %swap3A_710 = vector.shape_cast %max3A_703 : vector<16xf32> to vector<1x1x16xf32>
        tpu.vector_store %arg9[%swap3A_705, %swap3A_706, %swap3A_707], %swap3A_710 {strides = array<i32>} : memref<8x50x32xf32, #tpu.memory_space<vmem>>, vector<1x1x16xf32>,
        %max3A_711 = arith.constant 0.000000e+00 : f32
        %max3A_712 = vector.broadcast %max3A_711 : f32 to vector<16xf32>
        %max3A_713 = arith.maximumf %get3A_700, %max3A_712 : vector<16xf32>
        %swap3A_714 = arith.constant 7 : i32
        %swap3A_715 = arith.index_cast %swap3A_714 : i32 to index
        %swap3A_716 = arith.index_cast %scan3A_467 : i32 to index
        %swap3A_717 = arith.constant 16 : index
        %swap3A_718 = tpu.vector_load %arg9[%swap3A_715, %swap3A_716, %swap3A_717] {strides = array<i32>} : memref<8x50x32xf32, #tpu.memory_space<vmem>>, vector<1x1x16xf32>,
        %swap3A_719 = vector.shape_cast %swap3A_718 : vector<1x1x16xf32> to vector<16xf32>
        %swap3A_720 = vector.shape_cast %max3A_713 : vector<16xf32> to vector<1x1x16xf32>
        tpu.vector_store %arg9[%swap3A_715, %swap3A_716, %swap3A_717], %swap3A_720 {strides = array<i32>} : memref<8x50x32xf32, #tpu.memory_space<vmem>>, vector<1x1x16xf32>,
      }
      %scan3A_446 = arith.constant 50 : i32
      %add3A_447 = arith.constant 1 : i32
      %add3A_448 = arith.addi %mul3A_212, %add3A_447 : i32
      %mul3A_449 = arith.constant 8 : i32
      %mul3A_450 = arith.muli %add3A_448, %mul3A_449 : i32
      %add3A_451 = arith.addi %mul3A_2, %mul3A_450 : i32
      %dma_start3A_452 = arith.constant 0 : i32
      %dma_start3A_453 = arith.constant 0 : i32
      %dma_start3A_454 = tpu.memref_slice %arg4[%add3A_451, %dma_start3A_452, %dma_start3A_453] : memref<16384x50x32xf32, #tpu.memory_space<hbm>> -> memref<8x50x32xf32, #tpu.memory_space<hbm>>
      %dma_start3A_455 = arith.constant 0 : i32
      %dma_start3A_456 = arith.constant 0 : i32
      %dma_start3A_457 = tpu.memref_slice %arg4[%add3A_451, %dma_start3A_455, %dma_start3A_456] : memref<16384x50x32xf32, #tpu.memory_space<hbm>> -> memref<8x50x32xf32, #tpu.memory_space<hbm>>
      tpu.enqueue_dma source(%arg9 : memref<8x50x32xf32, #tpu.memory_space<vmem>>) target(%dma_start3A_457 : memref<8x50x32xf32, #tpu.memory_space<hbm>>) target_semaphore(%arg13 : memref<!tpu.dma_semaphore, #tpu.memory_space<semaphore_mem>>)
      %add3A_458 = arith.constant 1 : i32
      %add3A_459 = arith.addi %mul3A_212, %add3A_458 : i32
      %add3A_460 = arith.constant 2 : i32
      %add3A_461 = arith.addi %add3A_459, %add3A_460 : i32
      %lt3A_462 = arith.constant 64 : i32
      %lt3A_463 = arith.cmpi slt, %add3A_461, %lt3A_462 : i32
      %convert_element_type3A_464 = arith.extui %lt3A_463 : i1 to i32
      %cond3A_465 = arith.constant 0 : i32
      %cond3A_466 = arith.cmpi ne, %convert_element_type3A_464, %cond3A_465 : i32
      scf.if %cond3A_466 {
        %add3A_467 = arith.constant 1 : i32
        %add3A_468 = arith.addi %mul3A_212, %add3A_467 : i32
        %add3A_469 = arith.constant 2 : i32
        %add3A_470 = arith.addi %add3A_468, %add3A_469 : i32
        %mul3A_471 = arith.constant 8 : i32
        %mul3A_472 = arith.muli %add3A_470, %mul3A_471 : i32
        %add3A_473 = arith.constant 0 : i32
        %add3A_474 = arith.addi %mul3A_472, %add3A_473 : i32
        %dma_start3A_475 = arith.constant 0 : i32
        %dma_start3A_476 = arith.constant 0 : i32
        %dma_start3A_477 = arith.constant 0 : i32
        %dma_start3A_478 = tpu.memref_slice %arg7[%dma_start3A_475, %dma_start3A_476, %dma_start3A_477] : memref<8x50x32xf32, #tpu.memory_space<vmem>> -> memref<1x50x32xf32, #tpu.memory_space<vmem>>
        %dma_start3A_479 = tpu.memref_squeeze %dma_start3A_478 : memref<1x50x32xf32, #tpu.memory_space<vmem>> -> memref<50x32xf32, #tpu.memory_space<vmem>>
        %dma_start3A_480 = arith.constant 0 : i32
        %dma_start3A_481 = tpu.memref_slice %arg5[%add3A_474, %dma_start3A_480] : memref<512x50xi32, #tpu.memory_space<vmem>> -> memref<1x50xi32, #tpu.memory_space<vmem>>
        %dma_start3A_482 = tpu.memref_squeeze %dma_start3A_481 : memref<1x50xi32, #tpu.memory_space<vmem>> -> memref<50xi32, #tpu.memory_space<vmem>>
        %dma_start3A_483 = arith.constant 0 : i32
        %dma_start3A_484 = arith.constant 0 : i32
        %dma_start3A_485 = tpu.memref_slice %arg3[%dma_start3A_483, %dma_start3A_484] : memref<1000000x32xf32, #tpu.memory_space<hbm>> -> memref<1000000x32xf32, #tpu.memory_space<hbm>>
        tpu.enqueue_indirect_dma source(%dma_start3A_485 : memref<1000000x32xf32, #tpu.memory_space<hbm>>) target(%dma_start3A_479 : memref<50x32xf32, #tpu.memory_space<vmem>>) offsets(%dma_start3A_482 : memref<50xi32, #tpu.memory_space<vmem>>) semaphore(%arg11 : memref<!tpu.dma_semaphore, #tpu.memory_space<semaphore_mem>>)
        %mul3A_486 = arith.constant 8 : i32
        %mul3A_487 = arith.muli %add3A_470, %mul3A_486 : i32
        %add3A_488 = arith.constant 1 : i32
        %add3A_489 = arith.addi %mul3A_487, %add3A_488 : i32
        %dma_start3A_490 = arith.constant 1 : i32
        %dma_start3A_491 = arith.constant 0 : i32
        %dma_start3A_492 = arith.constant 0 : i32
        %dma_start3A_493 = tpu.memref_slice %arg7[%dma_start3A_490, %dma_start3A_491, %dma_start3A_492] : memref<8x50x32xf32, #tpu.memory_space<vmem>> -> memref<1x50x32xf32, #tpu.memory_space<vmem>>
        %dma_start3A_494 = tpu.memref_squeeze %dma_start3A_493 : memref<1x50x32xf32, #tpu.memory_space<vmem>> -> memref<50x32xf32, #tpu.memory_space<vmem>>
        %dma_start3A_495 = arith.constant 0 : i32
        %dma_start3A_496 = tpu.memref_slice %arg5[%add3A_489, %dma_start3A_495] : memref<512x50xi32, #tpu.memory_space<vmem>> -> memref<1x50xi32, #tpu.memory_space<vmem>>
        %dma_start3A_497 = tpu.memref_squeeze %dma_start3A_496 : memref<1x50xi32, #tpu.memory_space<vmem>> -> memref<50xi32, #tpu.memory_space<vmem>>
        %dma_start3A_498 = arith.constant 0 : i32
        %dma_start3A_499 = arith.constant 0 : i32
        %dma_start3A_500 = tpu.memref_slice %arg3[%dma_start3A_498, %dma_start3A_499] : memref<1000000x32xf32, #tpu.memory_space<hbm>> -> memref<1000000x32xf32, #tpu.memory_space<hbm>>
        tpu.enqueue_indirect_dma source(%dma_start3A_500 : memref<1000000x32xf32, #tpu.memory_space<hbm>>) target(%dma_start3A_494 : memref<50x32xf32, #tpu.memory_space<vmem>>) offsets(%dma_start3A_497 : memref<50xi32, #tpu.memory_space<vmem>>) semaphore(%arg11 : memref<!tpu.dma_semaphore, #tpu.memory_space<semaphore_mem>>)
        %mul3A_501 = arith.constant 8 : i32
        %mul3A_502 = arith.muli %add3A_470, %mul3A_501 : i32
        %add3A_503 = arith.constant 2 : i32
        %add3A_504 = arith.addi %mul3A_502, %add3A_503 : i32
        %dma_start3A_505 = arith.constant 2 : i32
        %dma_start3A_506 = arith.constant 0 : i32
        %dma_start3A_507 = arith.constant 0 : i32
        %dma_start3A_508 = tpu.memref_slice %arg7[%dma_start3A_505, %dma_start3A_506, %dma_start3A_507] : memref<8x50x32xf32, #tpu.memory_space<vmem>> -> memref<1x50x32xf32, #tpu.memory_space<vmem>>
        %dma_start3A_509 = tpu.memref_squeeze %dma_start3A_508 : memref<1x50x32xf32, #tpu.memory_space<vmem>> -> memref<50x32xf32, #tpu.memory_space<vmem>>
        %dma_start3A_510 = arith.constant 0 : i32
        %dma_start3A_511 = tpu.memref_slice %arg5[%add3A_504, %dma_start3A_510] : memref<512x50xi32, #tpu.memory_space<vmem>> -> memref<1x50xi32, #tpu.memory_space<vmem>>
        %dma_start3A_512 = tpu.memref_squeeze %dma_start3A_511 : memref<1x50xi32, #tpu.memory_space<vmem>> -> memref<50xi32, #tpu.memory_space<vmem>>
        %dma_start3A_513 = arith.constant 0 : i32
        %dma_start3A_514 = arith.constant 0 : i32
        %dma_start3A_515 = tpu.memref_slice %arg3[%dma_start3A_513, %dma_start3A_514] : memref<1000000x32xf32, #tpu.memory_space<hbm>> -> memref<1000000x32xf32, #tpu.memory_space<hbm>>
        tpu.enqueue_indirect_dma source(%dma_start3A_515 : memref<1000000x32xf32, #tpu.memory_space<hbm>>) target(%dma_start3A_509 : memref<50x32xf32, #tpu.memory_space<vmem>>) offsets(%dma_start3A_512 : memref<50xi32, #tpu.memory_space<vmem>>) semaphore(%arg11 : memref<!tpu.dma_semaphore, #tpu.memory_space<semaphore_mem>>)
        %mul3A_516 = arith.constant 8 : i32
        %mul3A_517 = arith.muli %add3A_470, %mul3A_516 : i32
        %add3A_518 = arith.constant 3 : i32
        %add3A_519 = arith.addi %mul3A_517, %add3A_518 : i32
        %dma_start3A_520 = arith.constant 3 : i32
        %dma_start3A_521 = arith.constant 0 : i32
        %dma_start3A_522 = arith.constant 0 : i32
        %dma_start3A_523 = tpu.memref_slice %arg7[%dma_start3A_520, %dma_start3A_521, %dma_start3A_522] : memref<8x50x32xf32, #tpu.memory_space<vmem>> -> memref<1x50x32xf32, #tpu.memory_space<vmem>>
        %dma_start3A_524 = tpu.memref_squeeze %dma_start3A_523 : memref<1x50x32xf32, #tpu.memory_space<vmem>> -> memref<50x32xf32, #tpu.memory_space<vmem>>
        %dma_start3A_525 = arith.constant 0 : i32
        %dma_start3A_526 = tpu.memref_slice %arg5[%add3A_519, %dma_start3A_525] : memref<512x50xi32, #tpu.memory_space<vmem>> -> memref<1x50xi32, #tpu.memory_space<vmem>>
        %dma_start3A_527 = tpu.memref_squeeze %dma_start3A_526 : memref<1x50xi32, #tpu.memory_space<vmem>> -> memref<50xi32, #tpu.memory_space<vmem>>
        %dma_start3A_528 = arith.constant 0 : i32
        %dma_start3A_529 = arith.constant 0 : i32
        %dma_start3A_530 = tpu.memref_slice %arg3[%dma_start3A_528, %dma_start3A_529] : memref<1000000x32xf32, #tpu.memory_space<hbm>> -> memref<1000000x32xf32, #tpu.memory_space<hbm>>
        tpu.enqueue_indirect_dma source(%dma_start3A_530 : memref<1000000x32xf32, #tpu.memory_space<hbm>>) target(%dma_start3A_524 : memref<50x32xf32, #tpu.memory_space<vmem>>) offsets(%dma_start3A_527 : memref<50xi32, #tpu.memory_space<vmem>>) semaphore(%arg11 : memref<!tpu.dma_semaphore, #tpu.memory_space<semaphore_mem>>)
        %mul3A_531 = arith.constant 8 : i32
        %mul3A_532 = arith.muli %add3A_470, %mul3A_531 : i32
        %add3A_533 = arith.constant 4 : i32
        %add3A_534 = arith.addi %mul3A_532, %add3A_533 : i32
        %dma_start3A_535 = arith.constant 4 : i32
        %dma_start3A_536 = arith.constant 0 : i32
        %dma_start3A_537 = arith.constant 0 : i32
        %dma_start3A_538 = tpu.memref_slice %arg7[%dma_start3A_535, %dma_start3A_536, %dma_start3A_537] : memref<8x50x32xf32, #tpu.memory_space<vmem>> -> memref<1x50x32xf32, #tpu.memory_space<vmem>>
        %dma_start3A_539 = tpu.memref_squeeze %dma_start3A_538 : memref<1x50x32xf32, #tpu.memory_space<vmem>> -> memref<50x32xf32, #tpu.memory_space<vmem>>
        %dma_start3A_540 = arith.constant 0 : i32
        %dma_start3A_541 = tpu.memref_slice %arg5[%add3A_534, %dma_start3A_540] : memref<512x50xi32, #tpu.memory_space<vmem>> -> memref<1x50xi32, #tpu.memory_space<vmem>>
        %dma_start3A_542 = tpu.memref_squeeze %dma_start3A_541 : memref<1x50xi32, #tpu.memory_space<vmem>> -> memref<50xi32, #tpu.memory_space<vmem>>
        %dma_start3A_543 = arith.constant 0 : i32
        %dma_start3A_544 = arith.constant 0 : i32
        %dma_start3A_545 = tpu.memref_slice %arg3[%dma_start3A_543, %dma_start3A_544] : memref<1000000x32xf32, #tpu.memory_space<hbm>> -> memref<1000000x32xf32, #tpu.memory_space<hbm>>
        tpu.enqueue_indirect_dma source(%dma_start3A_545 : memref<1000000x32xf32, #tpu.memory_space<hbm>>) target(%dma_start3A_539 : memref<50x32xf32, #tpu.memory_space<vmem>>) offsets(%dma_start3A_542 : memref<50xi32, #tpu.memory_space<vmem>>) semaphore(%arg11 : memref<!tpu.dma_semaphore, #tpu.memory_space<semaphore_mem>>)
        %mul3A_546 = arith.constant 8 : i32
        %mul3A_547 = arith.muli %add3A_470, %mul3A_546 : i32
        %add3A_548 = arith.constant 5 : i32
        %add3A_549 = arith.addi %mul3A_547, %add3A_548 : i32
        %dma_start3A_550 = arith.constant 5 : i32
        %dma_start3A_551 = arith.constant 0 : i32
        %dma_start3A_552 = arith.constant 0 : i32
        %dma_start3A_553 = tpu.memref_slice %arg7[%dma_start3A_550, %dma_start3A_551, %dma_start3A_552] : memref<8x50x32xf32, #tpu.memory_space<vmem>> -> memref<1x50x32xf32, #tpu.memory_space<vmem>>
        %dma_start3A_554 = tpu.memref_squeeze %dma_start3A_553 : memref<1x50x32xf32, #tpu.memory_space<vmem>> -> memref<50x32xf32, #tpu.memory_space<vmem>>
        %dma_start3A_555 = arith.constant 0 : i32
        %dma_start3A_556 = tpu.memref_slice %arg5[%add3A_549, %dma_start3A_555] : memref<512x50xi32, #tpu.memory_space<vmem>> -> memref<1x50xi32, #tpu.memory_space<vmem>>
        %dma_start3A_557 = tpu.memref_squeeze %dma_start3A_556 : memref<1x50xi32, #tpu.memory_space<vmem>> -> memref<50xi32, #tpu.memory_space<vmem>>
        %dma_start3A_558 = arith.constant 0 : i32
        %dma_start3A_559 = arith.constant 0 : i32
        %dma_start3A_560 = tpu.memref_slice %arg3[%dma_start3A_558, %dma_start3A_559] : memref<1000000x32xf32, #tpu.memory_space<hbm>> -> memref<1000000x32xf32, #tpu.memory_space<hbm>>
        tpu.enqueue_indirect_dma source(%dma_start3A_560 : memref<1000000x32xf32, #tpu.memory_space<hbm>>) target(%dma_start3A_554 : memref<50x32xf32, #tpu.memory_space<vmem>>) offsets(%dma_start3A_557 : memref<50xi32, #tpu.memory_space<vmem>>) semaphore(%arg11 : memref<!tpu.dma_semaphore, #tpu.memory_space<semaphore_mem>>)
        %mul3A_561 = arith.constant 8 : i32
        %mul3A_562 = arith.muli %add3A_470, %mul3A_561 : i32
        %add3A_563 = arith.constant 6 : i32
        %add3A_564 = arith.addi %mul3A_562, %add3A_563 : i32
        %dma_start3A_565 = arith.constant 6 : i32
        %dma_start3A_566 = arith.constant 0 : i32
        %dma_start3A_567 = arith.constant 0 : i32
        %dma_start3A_568 = tpu.memref_slice %arg7[%dma_start3A_565, %dma_start3A_566, %dma_start3A_567] : memref<8x50x32xf32, #tpu.memory_space<vmem>> -> memref<1x50x32xf32, #tpu.memory_space<vmem>>
        %dma_start3A_569 = tpu.memref_squeeze %dma_start3A_568 : memref<1x50x32xf32, #tpu.memory_space<vmem>> -> memref<50x32xf32, #tpu.memory_space<vmem>>
        %dma_start3A_570 = arith.constant 0 : i32
        %dma_start3A_571 = tpu.memref_slice %arg5[%add3A_564, %dma_start3A_570] : memref<512x50xi32, #tpu.memory_space<vmem>> -> memref<1x50xi32, #tpu.memory_space<vmem>>
        %dma_start3A_572 = tpu.memref_squeeze %dma_start3A_571 : memref<1x50xi32, #tpu.memory_space<vmem>> -> memref<50xi32, #tpu.memory_space<vmem>>
        %dma_start3A_573 = arith.constant 0 : i32
        %dma_start3A_574 = arith.constant 0 : i32
        %dma_start3A_575 = tpu.memref_slice %arg3[%dma_start3A_573, %dma_start3A_574] : memref<1000000x32xf32, #tpu.memory_space<hbm>> -> memref<1000000x32xf32, #tpu.memory_space<hbm>>
        tpu.enqueue_indirect_dma source(%dma_start3A_575 : memref<1000000x32xf32, #tpu.memory_space<hbm>>) target(%dma_start3A_569 : memref<50x32xf32, #tpu.memory_space<vmem>>) offsets(%dma_start3A_572 : memref<50xi32, #tpu.memory_space<vmem>>) semaphore(%arg11 : memref<!tpu.dma_semaphore, #tpu.memory_space<semaphore_mem>>)
        %mul3A_576 = arith.constant 8 : i32
        %mul3A_577 = arith.muli %add3A_470, %mul3A_576 : i32
        %add3A_578 = arith.constant 7 : i32
        %add3A_579 = arith.addi %mul3A_577, %add3A_578 : i32
        %dma_start3A_580 = arith.constant 7 : i32
        %dma_start3A_581 = arith.constant 0 : i32
        %dma_start3A_582 = arith.constant 0 : i32
        %dma_start3A_583 = tpu.memref_slice %arg7[%dma_start3A_580, %dma_start3A_581, %dma_start3A_582] : memref<8x50x32xf32, #tpu.memory_space<vmem>> -> memref<1x50x32xf32, #tpu.memory_space<vmem>>
        %dma_start3A_584 = tpu.memref_squeeze %dma_start3A_583 : memref<1x50x32xf32, #tpu.memory_space<vmem>> -> memref<50x32xf32, #tpu.memory_space<vmem>>
        %dma_start3A_585 = arith.constant 0 : i32
        %dma_start3A_586 = tpu.memref_slice %arg5[%add3A_579, %dma_start3A_585] : memref<512x50xi32, #tpu.memory_space<vmem>> -> memref<1x50xi32, #tpu.memory_space<vmem>>
        %dma_start3A_587 = tpu.memref_squeeze %dma_start3A_586 : memref<1x50xi32, #tpu.memory_space<vmem>> -> memref<50xi32, #tpu.memory_space<vmem>>
        %dma_start3A_588 = arith.constant 0 : i32
        %dma_start3A_589 = arith.constant 0 : i32
        %dma_start3A_590 = tpu.memref_slice %arg3[%dma_start3A_588, %dma_start3A_589] : memref<1000000x32xf32, #tpu.memory_space<hbm>> -> memref<1000000x32xf32, #tpu.memory_space<hbm>>
        tpu.enqueue_indirect_dma source(%dma_start3A_590 : memref<1000000x32xf32, #tpu.memory_space<hbm>>) target(%dma_start3A_584 : memref<50x32xf32, #tpu.memory_space<vmem>>) offsets(%dma_start3A_587 : memref<50xi32, #tpu.memory_space<vmem>>) semaphore(%arg11 : memref<!tpu.dma_semaphore, #tpu.memory_space<semaphore_mem>>)
      } else {
      }
    }
    %scan3A_198 = arith.constant 32 : i32
    %dma_wait3A = arith.constant 0 : i32
    %dma_wait3A_199 = arith.constant 0 : i32
    %dma_wait3A_200 = tpu.memref_slice %arg4[%mul3A_2, %dma_wait3A, %dma_wait3A_199] : memref<16384x50x32xf32, #tpu.memory_space<hbm>> -> memref<8x50x32xf32, #tpu.memory_space<hbm>>
    %dma_wait3A_201 = arith.constant 0 : i32
    %dma_wait3A_202 = arith.constant 0 : i32
    %dma_wait3A_203 = tpu.memref_slice %arg4[%mul3A_2, %dma_wait3A_201, %dma_wait3A_202] : memref<16384x50x32xf32, #tpu.memory_space<hbm>> -> memref<8x50x32xf32, #tpu.memory_space<hbm>>
    tpu.wait_dma2 semaphore(%arg12 : memref<!tpu.dma_semaphore, #tpu.memory_space<semaphore_mem>>) src(%arg8 : memref<8x50x32xf32, #tpu.memory_space<vmem>>) dst(%dma_wait3A_203 : memref<8x50x32xf32, #tpu.memory_space<hbm>>)
    %dma_wait3A_204 = arith.constant 0 : i32
    %dma_wait3A_205 = arith.constant 0 : i32
    %dma_wait3A_206 = tpu.memref_slice %arg4[%mul3A_2, %dma_wait3A_204, %dma_wait3A_205] : memref<16384x50x32xf32, #tpu.memory_space<hbm>> -> memref<8x50x32xf32, #tpu.memory_space<hbm>>
    %dma_wait3A_207 = arith.constant 0 : i32
    %dma_wait3A_208 = arith.constant 0 : i32
    %dma_wait3A_209 = tpu.memref_slice %arg4[%mul3A_2, %dma_wait3A_207, %dma_wait3A_208] : memref<16384x50x32xf32, #tpu.memory_space<hbm>> -> memref<8x50x32xf32, #tpu.memory_space<hbm>>
    tpu.wait_dma2 semaphore(%arg13 : memref<!tpu.dma_semaphore, #tpu.memory_space<semaphore_mem>>) src(%arg9 : memref<8x50x32xf32, #tpu.memory_space<vmem>>) dst(%dma_wait3A_209 : memref<8x50x32xf32, #tpu.memory_space<hbm>>)
    return
  }
}

</mosaic_0001>

<sc_bundles>
// kernel: kernel.3.cloned.1.call-start
scs
__scs_entry_jumppad:
0x0: {  	(pc) =	sbr.rel $0x88, $3  }
0x1: {  	(tag) =	ssettag $0x0;
	lr =	simm.s32 $0x1  }
0x2: {  	[smem:$0x3F9F] =	sst lr;
	_ =	strace $0xD0000000  }
0x3: {  	_ = 	snop  }
0x4: {  	_ = 	snop  }
0x5: {  	_ = 	snop  }
0x6: {  	_ = 	snop  }
0x7: {  	_ = 	snop  }
__scs_overlays_trampoline_lowered:
0x8: {  	[smem:$0x3FAE] =	sst s0  }
0x9: {  	[smem:$0x3FAF] =	sst s1  }
0xa: {  	[smem:$0x3FB0] =	sst s2  }
0xb: {  	[smem:$0x3FB1] =	sst s3  }
0xc: {  	[smem:$0x3FB2] =	sst s4  }
0xd: {  	[smem:$0x3FB3] =	sst s5  }
0xe: {  	[smem:$0x3FB4] =	sst s6  }
0xf: {  	[smem:$0x3FB5] =	sst s7  }
0x10: {  	[smem:$0x3FB6] =	sst s8  }
0x11: {  	[smem:$0x3FB7] =	sst s9;
	s0 =	simm.s32 @!p0 $0x0  }
0x12: {  	s1 =	sld [smem:$0x3F9D];
	s0 =	simm.s32 @p0 $0x1  }
0x13: {  	[smem:$0x3FB8] =	sst s0;
	s0 =	simm.s32 @!p1 $0x0  }
0x14: {  	s2 =	sld [smem:$0x3F9C];
	s0 =	simm.s32 @p1 $0x1  }
0x15: {  	[smem:$0x3FB9] =	sst s0;
	s0 =	simm.s32 @!p2 $0x0  }
0x16: {  	s3 =	sld [smem:$0x3FDB];
	s0 =	simm.s32 @p2 $0x1  }
0x17: {  	s4 =	simm.s32 $0x1BF5;
	[smem:$0x3FBB] =	sst s0  }
0x18: {  	s0 =	sld [smem:$0x3F9E];
	_ =	swait.ge [sflag:s4], $0x0  }
0x19: {  	s7 =	sld [smem:$0x3F9F]  }
0x1a: {  	s8 =	sadd.s32 $0xFFFFE003, lr  }
0x1b: {  	s9 =	sadd.s32 $0xFFFFFEF7, lr;
	s5 =	simm.s32 $0xFFFFFFFF;
	p2 =	slt.u32 s8, $0xFFFFF086  }
0x1c: {  	p1 =	slt.u32 s9, $0xF7A;
	s5 =	simm.s32 @!p2 $0x0  }
0x1d: {  	s5 =	simm.s32 @p1 $0x1;
	p0 =	seq.s32 s7, s2  }
0x1e: {  	s7 =	smul.u32 @!p0 $0xF7A, s2;
	p2 =	seq.s32 @!p0 s5, $0x0  }
0x1f: {  	s9 =	smul.u32 $0xF7A, s1;
	s8 =	simm.s32 @!p0 $0x1BF5;
	p2 =	por !p2, p0  }
0x20: {  	[sflag:s8] =	ssyncset.s32 @!p0 $0xFFFFF086;
	s6 =	sadd.s32 @!p0 s3, s7;
	s7 =	simm.s32 @!p0 $0x108  }
0x21: {  	s3 =	sadd.s32 s3, s9;
	s6 =	sadd.s32 @!p0 $0x88, s6;
	s7 =	simm.s32 @p2 $0x1082  }
0x22: {  	[simem:s7], [sflag:s8] =	dma.local @!p0 [hbm:s6], $0xF7A  }
0x23: {  	s9 =	sor.u32 $0xD0000000, s2;
	s6 =	simm.s32 $0x108;
	_ =	swait.ge @!p0 [sflag:s8], $0x0  }
0x24: {  	s3 =	sadd.s32 $0x88, s3;
	s6 =	simm.s32 @!p1 $0x1082;
	[sflag:s4] =	ssyncset.s32 $0xFFFFF086  }
0x25: {  	[simem:s6], [sflag:s4] =	dma.local [hbm:s3], $0xF7A  }
0x26: {  	[smem:$0x3F9F] =	sst s1;
	(tag) =	ssettag s2;
	_ =	strace s9  }
0x27: {  	s1 =	sld [smem:$0x3FAF]  }
0x28: {  	s2 =	sld [smem:$0x3FB0]  }
0x29: {  	s4 =	sld [smem:$0x3FB2]  }
0x2a: {  	p0 =	seq.s32 s5, $0x0;
	s5 =	sld [smem:$0x3FB3]  }
0x2b: {  	s6 =	sld [smem:$0x3FB4]  }
0x2c: {  	s7 =	sld [smem:$0x3FB5]  }
0x2d: {  	s3 =	simm.s32 $0x108;
	s8 =	sld [smem:$0x3FB6]  }
0x2e: {  	s3 =	simm.s32 @!p0 $0x1082;
	s9 =	sld [smem:$0x3FB7]  }
0x2f: {  	lr =	sadd.s32 s0, s3;
	s0 =	sld [smem:$0x3FAE]  }
0x30: {  	s3 =	sld [smem:$0x3FB1]  }
0x31: {  	[smem:$0x3FBA] =	sst s10  }
0x32: {  	s10 =	sld [smem:$0x3FB8];
	_ =	sdelay $0x3  }
0x33: {  	p0 =	seq.s32 s10, $0x1;
	s10 =	sld [smem:$0x3FBA];
	_ =	sdelay $0x3  }
0x34: {  	[smem:$0x3FBA] =	sst s10  }
0x35: {  	s10 =	sld [smem:$0x3FB9];
	_ =	sdelay $0x3  }
0x36: {  	p1 =	seq.s32 s10, $0x1;
	s10 =	sld [smem:$0x3FBA];
	_ =	sdelay $0x3  }
0x37: {  	[smem:$0x3FBA] =	sst s10  }
0x38: {  	s10 =	sld [smem:$0x3FBB]  }
0x39: {  	_ = 	snop;
	(pc) =	sbr.ind lr, $3  }
0x3a: {  	_ = 	snop  }
0x3b: {  	_ = 	snop  }
0x3c: {  	p2 =	seq.s32 s10, $0x1;
	s10 =	sld [smem:$0x3FBA]  }
0x3d: {  	_ =	shalt  }
0x3e: {  	_ =	shalt  }
0x3f: {  	_ =	shalt  }
0x40: {  	_ =	shalt  }
0x41: {  	_ =	shalt  }
0x42: {  	_ =	shalt  }
0x43: {  	_ =	shalt  }
0x44: {  	_ =	shalt  }
0x45: {  	_ =	shalt  }
0x46: {  	_ =	shalt  }
0x47: {  	_ =	shalt  }
0x48: {  	_ =	shalt  }
0x49: {  	_ =	shalt  }
0x4a: {  	_ =	shalt  }
0x4b: {  	_ =	shalt  }
0x4c: {  	_ =	shalt  }
0x4d: {  	_ =	shalt  }
0x4e: {  	_ =	shalt  }
0x4f: {  	_ =	shalt  }
0x50: {  	_ =	shalt  }
0x51: {  	_ =	shalt  }
0x52: {  	_ =	shalt  }
0x53: {  	_ =	shalt  }
0x54: {  	_ =	shalt  }
0x55: {  	_ =	shalt  }
0x56: {  	_ =	shalt  }
0x57: {  	_ =	shalt  }
0x58: {  	_ =	shalt  }
0x59: {  	_ =	shalt  }
0x5a: {  	_ =	shalt  }
0x5b: {  	_ =	shalt  }
0x5c: {  	_ =	shalt  }
0x5d: {  	_ =	shalt  }
0x5e: {  	_ =	shalt  }
0x5f: {  	_ =	shalt  }
0x60: {  	_ =	shalt  }
0x61: {  	_ =	shalt  }
0x62: {  	_ =	shalt  }
0x63: {  	_ =	shalt  }
0x64: {  	_ =	shalt  }
0x65: {  	_ =	shalt  }
0x66: {  	_ =	shalt  }
0x67: {  	_ =	shalt  }
0x68: {  	_ =	shalt  }
0x69: {  	_ =	shalt  }
0x6a: {  	_ =	shalt  }
0x6b: {  	_ =	shalt  }
0x6c: {  	_ =	shalt  }
0x6d: {  	_ =	shalt  }
0x6e: {  	_ =	shalt  }
0x6f: {  	_ =	shalt  }
0x70: {  	_ =	shalt  }
0x71: {  	_ =	shalt  }
0x72: {  	_ =	shalt  }
0x73: {  	_ =	shalt  }
0x74: {  	_ =	shalt  }
0x75: {  	_ =	shalt  }
0x76: {  	_ =	shalt  }
0x77: {  	_ =	shalt  }
0x78: {  	_ =	shalt  }
0x79: {  	_ =	shalt  }
0x7a: {  	_ =	shalt  }
0x7b: {  	_ =	shalt  }
0x7c: {  	_ =	shalt  }
0x7d: {  	_ =	shalt  }
0x7e: {  	_ =	shalt  }
0x7f: {  	_ =	shalt  }
0x80: {  	_ =	shalt  }
0x81: {  	_ =	shalt  }
0x82: {  	_ =	shalt  }
0x83: {  	_ =	shalt  }
0x84: {  	_ =	shalt  }
0x85: {  	_ =	shalt  }
0x86: {  	_ =	shalt  }
0x87: {  	_ =	shalt  }
.Lfunc_end0:
.L_simem_size_0:
called_computation.1_lowered:
.L_overlay_start_0:
0x88: {  	s2 =	sld [smem:$0x3FD9]  }
0x89: {  	s3 =	sld [smem:$0x3FFE];
	_ =	sdelay $0x1  }
0x8a: {  	s1 =	srdreg.scid  }
0x8b: {  	s0 =	sand.u32 $0x1, s1  }
0x8c: {  	s17 =	sshll.u32 s0, $0xA;
	s2 =	sadd.s32 s3, s2  }
0x8d: {  	s2 =	sadd.s32 s2, s17  }
0x8e: {  	[smem:$0x3FC6] =	sst s2  }
0x8f: {  	_ = 	snop  }
0x90: {  	s2 =	sld [smem:$0x3FD0];
	(tm) =	ssettm $0x1  }
0x91: {  	s18 =	sld [smem:$0x3FFB];
	_ =	sdelay $0x3  }
0x92: {  	_ =	strace s18  }
0x93: {  	s3 =	sld [smem:$0x3FFC];
	_ =	sdelay $0x3  }
0x94: {  	_ =	strace s3  }
0x95: {  	s3 =	sld [smem:$0x3FFD];
	_ =	sdelay $0x3  }
0x96: {  	_ =	strace s3  }
0x97: {  	_ =	strace $0x8FFFFFFF  }
0x98: {  	s19 =	sld [smem:$0x3FDB];
	_ =	sdelay $0x1  }
0x99: {  	s4 =	simm.s32 $_scs_section_size  }
0x9a: {  	s5 =	simm.s32 $_size__tile_overlayer_lowered;
	s6 =	simm.s32 $_tile_overlayer_lowered  }
0x9b: {  	s22 =	simm.s32 $0x1BFF;
	s21 =	sshll.u32 s6, $0x1;
	s3 =	sadd.s32 s4, s19  }
0x9c: {  	s7 =	simm.s32 $0x0;
	s20 =	sshll.u32 s5, $0x1;
	s5 =	sadd.s32 s21, s3  }
0x9d: {  	[timem:s7], [sflag:s22] =	dma.local [hbm:s5], s20  }
0x9e: {  	_ =	swait.ge [sflag:s22], s20  }
0x9f: {  	s4 =	ssub.s32 $0x0, s20;
	[sflag:s22] =	ssyncset.done $0x0  }
0xa0: {  	[sflag:s22] =	ssyncadd.s32 s4;
	_ =	sdelay $0x1  }
0xa1: {  	s23 =	simm.s32 $0x1B8B  }
0xa2: {  	_ =	swait.ge [sflag:s23], $0x1  }
0xa3: {  	[sflag:s23] =	ssyncset.done $0x0  }
0xa4: {  	s25 =	simm.s32 $0x1B8E;
	s24 =	sld [smem:$0x3FFE];
	[sflag:s23] =	ssyncadd.s32 $0xFFFFFFFF  }
0xa5: {  	s26 =	simm.s32 $execute0_lowered;
	[smem:$0x3FD2] =	sst s25  }
0xa6: {  	s5 =	sshll.u32 s26, $0x1;
	_ =	strace $0x80000046;
	[dreg:$0x1] =	wrdreg $0xFFFFFFFF  }
0xa7: {  	s28 =	simm.s32 $_size_execute0_lowered;
	s3 =	sadd.s32 s3, s5;
	[dreg:$0x0] =	wrdreg $0x0  }
0xa8: {  	s5 =	sshll.u32 s28, $0x1;
	[dreg:$0x2] =	wrdreg s3  }
0xa9: {  	[dreg:$0x3] =	wrdreg s5  }
0xaa: {  	[dreg:$0x4] =	wrdreg $0xC0  }
0xab: {  	_ =	task [dreg:s7], $0x5FFFF  }
0xac: {  	[dreg:$0x1] =	wrdreg $0xFFFFFFFF  }
0xad: {  	[dreg:$0x0] =	wrdreg $0x60  }
0xae: {  	[dreg:$0x2] =	wrdreg s24  }
0xaf: {  	[dreg:$0x3] =	wrdreg s2  }
0xb0: {  	[dreg:$0x4] =	wrdreg $0x9  }
0xb1: {  	_ =	task.clear_ibuf [dreg:s7], $0x5FFFF;
	_ =	strace $0x90000046  }
0xb2: {  	s29 =	simm.s32 $0x9;
	_ =	strace $0x80000048  }
0xb3: {  	_ =	swait.ge [sflag:s29], $0x1  }
0xb4: {  	[sflag:s29] =	ssyncadd.s32 $0xFFFFFFFF  }
0xb5: {  	_ =	strace $0x90000048  }
0xb6: {  	_ =	sfence  }
0xb7: {  	s30 =	sld [smem:$0x0];
	_ =	sdelay $0x2  }
0xb8: {  	s31 =	sshll.u32 s1, $0xD;
	s1 =	sshrl.u32 s1, $0x2  }
0xb9: {  	s3 =	sand.u32 $0x4000, s31;
	s1 =	sadd.s32 s1, s30  }
0xba: {  	s0 =	sor.u32 s3, s0;
	s1 =	sshll.u32 s1, $0x11  }
0xbb: {  	s0 =	sor.u32 s1, s0  }
0xbc: {  	s0 =	sadd.s32 $0x8F2B, s0  }
0xbd: {  	[sflag:s0] =	ssyncadd.remote.s32 $0x1  }
0xbe: {  	_ =	sfence.sel $0xFFFF  }
0xbf: {  	[dreg:$0x0] =	wrdreg $0xFFFFFFFF;
	(pc) =	sbr.abs _section_cstart, $3  }
0xc0: {  	[dreg:$0x1] =	wrdreg $0xFFFFFFFF  }
0xc1: {  	_ =	task.clear_ibuf [dreg:s7], $0x2FFFF;
	_ =	strace $0x9FFFFFFF  }
0xc2: {  	(tm) =	ssettm $0x7FFFFFFF  }
0xc3: {  	_ =	shalt  }
tec
execute0_lowered:
.L_overlay_start_1:
0x0: {  	(tag) =	ssettag $0x1  }
0x1: {  	s0 =	srdreg.scid  }
0x2: {  	s1 =	rddreg [dreg:$0x0];
	s3 =	stileid.u32  }
0x3: {  	s2 =	rddreg [dreg:$0x1];
	s8 =	simm.s32 $0x5;
	s9 =	simm.s32 $0x32  }
0x4: {  	s26 =	simm.s32 $0xA200;
	s29 =	simm.s32 $0xA840;
	s31 =	simm.s32 $0xAE80  }
0x5: {  	s11 =	simm.s32 $0xBB00;
	s13 =	simm.s32 $0xC140;
	s14 =	simm.s32 $0x310  }
0x6: {  	s15 =	simm.s32 $0xC780;
	s16 =	simm.s32 $0x348;
	s17 =	simm.s32 $0xCDC0  }
0x7: {  	s18 =	simm.s32 $0x1;
	s19 =	simm.s32 $0xD400;
	s20 =	simm.s32 $0x2  }
0x8: {  	s21 =	simm.s32 $0x10600;
	s22 =	simm.s32 $0x3;
	s0 =	sand.u32 $0x1, s0  }
0x9: {  	s23 =	simm.s32 $0x4;
	s5 =	sshll.u32 s3, $0x9;
	s4 =	sshll.u32 s0, $0xD  }
.Ltmp0:
0xa: {  	s3 =	simm.s32 $0x0;
	s4 =	sor.u32 s5, s4;
	(pc) =	sbr.rel .LBB2_1-.Ltmp0, $4  }
0xb: {  	[smem:$0x7FF] =	sst s3;
	s0 =	ssub.s32 $0x2, s0;
	s5 =	smul.u32 $0x7, s4  }
0xc: {  	s24 =	simm.s32 $0x0;
	_ =	strace $0x80000047;
	s6 =	sshrl.u32 s0, $0x1  }
0xd: {  	s0 =	ssub.s32 s0, s6;
	s7 =	sadd.s32 s5, s1;
	s5 =	sadd.s32 $0xF42E00, s1  }
0xe: {  	s6 =	sadd.s32 $0xA00, s7;
	s7 =	smax.u32 s0, $0x1;
	s0 =	simm.s32 $0xB4C0  }
.LBB2_8:
0xf: {  	s24 =	sadd.s32 $0x1, s24  }
0x10: {  	_ =	swait.ge [sflag:s22], $0x3200;
	p0 =	sne.s32 s24, s7  }
.Ltmp1:
0x11: {  	[sflag:s22] =	ssyncset.done $0x0;
	(pc) =	sbr.rel @!p0 .LBB2_9-.Ltmp1, $4  }
0x12: {  	[sflag:s22] =	ssyncadd.s32 $0xFFFFCE00  }
0x13: {  	_ =	swait.ge [sflag:s23], $0x3200  }
0x14: {  	[sflag:s23] =	ssyncset.done $0x0  }
0x15: {  	[sflag:s23] =	ssyncadd.s32 $0xFFFFCE00  }
.LBB2_1:
0x16: {  	[tilespmem:s3], [sflag:$0x5] =	stream.linear.gather [hbm4b:s6+s3], $0x7000, $0x38;
	[tilespmem:$0x13800] =	vst v63  }
0x17: {  	_ =	swait.ge [sflag:s8], $0x7000  }
0x18: {  	[sflag:s8] =	ssyncset.done $0x0  }
0x19: {  	s1 =	simm.s32 $0x7000;
	[sflag:s8] =	ssyncadd.s32 $0xFFFF9000  }
0x1a: {  	[tilespmem:s1], [sflag:$0x1] =	stream.indirect.gather [hbm4b:s5+s9], $0x20, s3, s9, $0xb8;
	[tilespmem:$0x13800] =	vst v63  }
0x1b: {  	s30 =	simm.s32 $0x38;
	s10 =	simm.s32 $0x7640  }
0x1c: {  	[tilespmem:s10], [sflag:$0x1] =	stream.indirect.gather [hbm4b:s5+s9], $0x20, s30, s9, $0xb8;
	[tilespmem:$0x13800] =	vst v63  }
0x1d: {  	s12 =	simm.s32 $0x70;
	s25 =	simm.s32 $0x7C80  }
0x1e: {  	[tilespmem:s25], [sflag:$0x1] =	stream.indirect.gather [hbm4b:s5+s9], $0x20, s12, s9, $0xb8;
	[tilespmem:$0x13800] =	vst v63  }
0x1f: {  	s28 =	simm.s32 $0xA8;
	s30 =	simm.s32 $0x82C0  }
0x20: {  	[tilespmem:s30], [sflag:$0x1] =	stream.indirect.gather [hbm4b:s5+s9], $0x20, s28, s9, $0xb8;
	[tilespmem:$0x13800] =	vst v63  }
0x21: {  	s12 =	simm.s32 $0xE0;
	s25 =	simm.s32 $0x8900  }
0x22: {  	[tilespmem:s25], [sflag:$0x1] =	stream.indirect.gather [hbm4b:s5+s9], $0x20, s12, s9, $0xb8;
	[tilespmem:$0x13800] =	vst v63  }
0x23: {  	s28 =	simm.s32 $0x118;
	s30 =	simm.s32 $0x8F40  }
0x24: {  	[tilespmem:s30], [sflag:$0x1] =	stream.indirect.gather [hbm4b:s5+s9], $0x20, s28, s9, $0xb8;
	[tilespmem:$0x13800] =	vst v63  }
0x25: {  	s10 =	simm.s32 $0x150;
	s12 =	simm.s32 $0x9580  }
0x26: {  	[tilespmem:s12], [sflag:$0x1] =	stream.indirect.gather [hbm4b:s5+s9], $0x20, s10, s9, $0xb8;
	[tilespmem:$0x13800] =	vst v63  }
0x27: {  	s25 =	simm.s32 $0x188;
	s28 =	simm.s32 $0x9BC0  }
0x28: {  	[tilespmem:s28], [sflag:$0x1] =	stream.indirect.gather [hbm4b:s5+s9], $0x20, s25, s9, $0xb8;
	[tilespmem:$0x13800] =	vst v63  }
0x29: {  	s30 =	simm.s32 $0x1C0  }
0x2a: {  	[tilespmem:s26], [sflag:$0x2] =	stream.indirect.gather [hbm4b:s5+s9], $0x20, s30, s9, $0xb8;
	[tilespmem:$0x13800] =	vst v63  }
0x2b: {  	s10 =	simm.s32 $0x1F8  }
0x2c: {  	[tilespmem:s29], [sflag:$0x2] =	stream.indirect.gather [hbm4b:s5+s9], $0x20, s10, s9, $0xb8;
	[tilespmem:$0x13800] =	vst v63  }
0x2d: {  	s12 =	simm.s32 $0x230  }
0x2e: {  	[tilespmem:s31], [sflag:$0x2] =	stream.indirect.gather [hbm4b:s5+s9], $0x20, s12, s9, $0xb8;
	[tilespmem:$0x13800] =	vst v63  }
0x2f: {  	s25 =	simm.s32 $0x268  }
0x30: {  	[tilespmem:s0], [sflag:$0x2] =	stream.indirect.gather [hbm4b:s5+s9], $0x20, s25, s9, $0xb8;
	[tilespmem:$0x13800] =	vst v63  }
0x31: {  	s28 =	simm.s32 $0x2A0  }
0x32: {  	[tilespmem:s11], [sflag:$0x2] =	stream.indirect.gather [hbm4b:s5+s9], $0x20, s28, s9, $0xb8;
	[tilespmem:$0x13800] =	vst v63  }
0x33: {  	s30 =	simm.s32 $0x2D8  }
0x34: {  	[tilespmem:s13], [sflag:$0x2] =	stream.indirect.gather [hbm4b:s5+s9], $0x20, s30, s9, $0xb8;
	[tilespmem:$0x13800] =	vst v63  }
0x35: {  	_ = 	snop  }
0x36: {  	[tilespmem:s15], [sflag:$0x2] =	stream.indirect.gather [hbm4b:s5+s9], $0x20, s14, s9, $0xb8;
	[tilespmem:$0x13800] =	vst v63  }
0x37: {  	s25 =	simm.s32 $0x0  }
0x38: {  	[tilespmem:s17], [sflag:$0x2] =	stream.indirect.gather [hbm4b:s5+s9], $0x20, s16, s9, $0xb8;
	[tilespmem:$0x13800] =	vst v63  }
.LBB2_2:
0x39: {  	_ =	swait.ge [sflag:s18], $0x640  }
0x3a: {  	[sflag:s18] =	ssyncset.done $0x0  }
0x3b: {  	[sflag:s18] =	ssyncadd.s32 $0xFFFFF9C0  }
0x3c: {  	_ =	swait.ge [sflag:s18], $0x640  }
0x3d: {  	[sflag:s18] =	ssyncset.done $0x0  }
0x3e: {  	[sflag:s18] =	ssyncadd.s32 $0xFFFFF9C0  }
0x3f: {  	_ =	swait.ge [sflag:s18], $0x640  }
0x40: {  	[sflag:s18] =	ssyncset.done $0x0  }
0x41: {  	[sflag:s18] =	ssyncadd.s32 $0xFFFFF9C0  }
0x42: {  	_ =	swait.ge [sflag:s18], $0x640  }
0x43: {  	[sflag:s18] =	ssyncset.done $0x0  }
0x44: {  	[sflag:s18] =	ssyncadd.s32 $0xFFFFF9C0  }
0x45: {  	_ =	swait.ge [sflag:s18], $0x640  }
0x46: {  	[sflag:s18] =	ssyncset.done $0x0  }
0x47: {  	[sflag:s18] =	ssyncadd.s32 $0xFFFFF9C0  }
0x48: {  	_ =	swait.ge [sflag:s18], $0x640  }
0x49: {  	[sflag:s18] =	ssyncset.done $0x0  }
0x4a: {  	[sflag:s18] =	ssyncadd.s32 $0xFFFFF9C0  }
0x4b: {  	_ =	swait.ge [sflag:s18], $0x640  }
0x4c: {  	[sflag:s18] =	ssyncset.done $0x0  }
0x4d: {  	[sflag:s18] =	ssyncadd.s32 $0xFFFFF9C0  }
0x4e: {  	_ =	swait.ge [sflag:s18], $0x640  }
0x4f: {  	p0 =	seq.s32 s25, $0x0;
	[sflag:s18] =	ssyncset.done $0x0  }
0x50: {  	s1 =	simm.s32 @!p0 $0x3;
	[sflag:s18] =	ssyncadd.s32 $0xFFFFF9C0  }
0x51: {  	_ =	swait.ge @!p0 [sflag:s1], $0x3200  }
0x52: {  	[sflag:s1] =	ssyncset.done @!p0 $0x0  }
0x53: {  	s28 =	simm.s32 $0x0;
	[sflag:s1] =	ssyncadd.s32 @!p0 $0xFFFFCE00  }
0x54: {  	v0 =	vld [tilespmem:s28+$0x9BD0]  }
0x55: {  	v1 =	vld [tilespmem:s28+$0x7000]  }
0x56: {  	v2 =	vld [tilespmem:s28+$0x7010]  }
0x57: {  	v3 =	vld [tilespmem:s28+$0x7640]  }
0x58: {  	v4 =	vld [tilespmem:s28+$0x7650]  }
0x59: {  	v5 =	vld [tilespmem:s28+$0x7C80];
	v0 =	vmax.f32 v0, $0.0e+00  }
0x5a: {  	v6 =	vld [tilespmem:s28+$0x7C90];
	v1 =	vmax.f32 v1, $0.0e+00;
	[tilespmem:s28+$0xFFD0] =	vst v0  }
0x5b: {  	[tilespmem:s28+$0xD400] =	vst v1;
	v0 =	vmax.f32 v2, $0.0e+00;
	v1 =	vld [tilespmem:s28+$0x82C0]  }
0x5c: {  	v2 =	vld [tilespmem:s28+$0x82D0];
	[tilespmem:s28+$0xD410] =	vst v0;
	v0 =	vmax.f32 v3, $0.0e+00  }
0x5d: {  	v3 =	vld [tilespmem:s28+$0x8900];
	[tilespmem:s28+$0xDA40] =	vst v0;
	v0 =	vmax.f32 v4, $0.0e+00  }
0x5e: {  	v4 =	vld [tilespmem:s28+$0x8910];
	[tilespmem:s28+$0xDA50] =	vst v0;
	v0 =	vmax.f32 v5, $0.0e+00  }
0x5f: {  	v5 =	vmax.f32 v6, $0.0e+00;
	[tilespmem:s28+$0xE080] =	vst v0;
	v0 =	vld [tilespmem:s28+$0x8F40]  }
0x60: {  	[tilespmem:s28+$0xE090] =	vst v5;
	v5 =	vmax.f32 v1, $0.0e+00;
	v1 =	vld [tilespmem:s28+$0x8F50]  }
0x61: {  	[tilespmem:s28+$0xE6C0] =	vst v5;
	v5 =	vmax.f32 v2, $0.0e+00;
	v2 =	vld [tilespmem:s28+$0x9580]  }
0x62: {  	[tilespmem:s28+$0xE6D0] =	vst v5;
	v5 =	vmax.f32 v3, $0.0e+00;
	v3 =	vld [tilespmem:s28+$0x9590]  }
0x63: {  	s30 =	simm.s32 $0x20;
	s1 =	simm.s32 $0x100;
	[tilespmem:s28+$0xED00] =	vst v5;
	v5 =	vmax.f32 v4, $0.0e+00;
	v4 =	vld [tilespmem:s28+$0x9BC0]  }
.LBB2_3:
0x64: {  	p1 =	sne.s32 s1, $0x1880;
	v6 =	vld [tilespmem:s30+$0x9BD0];
	[tilespmem:s28+$0xED10] =	vst v5;
	v0 =	vmax.f32 v0, $0.0e+00  }
0x65: {  	v5 =	vld [tilespmem:s30+$0x7000];
	[tilespmem:s28+$0xF340] =	vst v0;
	v0 =	vmax.f32 v1, $0.0e+00  }
0x66: {  	v1 =	vld [tilespmem:s30+$0x7010];
	[tilespmem:s28+$0xF350] =	vst v0;
	v0 =	vmax.f32 v2, $0.0e+00  }
0x67: {  	v2 =	vld [tilespmem:s30+$0x7640];
	[tilespmem:s28+$0xF980] =	vst v0;
	v0 =	vmax.f32 v3, $0.0e+00  }
0x68: {  	v3 =	vld [tilespmem:s30+$0x7650];
	[tilespmem:s28+$0xF990] =	vst v0;
	v0 =	vmax.f32 v4, $0.0e+00  }
0x69: {  	v4 =	vld [tilespmem:s30+$0x7C80];
	v6 =	vmax.f32 v6, $0.0e+00;
	[tilespmem:s28+$0xFFC0] =	vst v0;
	s28 =	smov.u32 s30  }
0x6a: {  	v0 =	vmax.f32 v5, $0.0e+00;
	v5 =	vld [tilespmem:s28+$0x7C90];
	[tilespmem:s28+$0xFFD0] =	vst v6  }
0x6b: {  	[tilespmem:s28+$0xD400] =	vst v0;
	v0 =	vmax.f32 v1, $0.0e+00;
	v1 =	vld [tilespmem:s28+$0x82C0]  }
0x6c: {  	[tilespmem:s28+$0xD410] =	vst v0;
	v0 =	vmax.f32 v2, $0.0e+00;
	v2 =	vld [tilespmem:s28+$0x82D0]  }
0x6d: {  	[tilespmem:s28+$0xDA40] =	vst v0;
	v0 =	vmax.f32 v3, $0.0e+00;
	v3 =	vld [tilespmem:s28+$0x8900]  }
0x6e: {  	[tilespmem:s28+$0xDA50] =	vst v0;
	v0 =	vmax.f32 v4, $0.0e+00;
	v4 =	vld [tilespmem:s28+$0x8910]  }
.Ltmp2:
0x6f: {  	[tilespmem:s28+$0xE080] =	vst v0;
	v5 =	vmax.f32 v5, $0.0e+00;
	v0 =	vld [tilespmem:s28+$0x8F40];
	(pc) =	sbr.rel @p1 .LBB2_3-.Ltmp2, $4  }
0x70: {  	[tilespmem:s28+$0xE090] =	vst v5;
	v5 =	vmax.f32 v1, $0.0e+00;
	v1 =	vld [tilespmem:s28+$0x8F50]  }
0x71: {  	[tilespmem:s28+$0xE6C0] =	vst v5;
	v5 =	vmax.f32 v2, $0.0e+00;
	v2 =	vld [tilespmem:s28+$0x9580]  }
0x72: {  	[tilespmem:s28+$0xE6D0] =	vst v5;
	v5 =	vmax.f32 v3, $0.0e+00;
	v3 =	vld [tilespmem:s28+$0x9590]  }
0x73: {  	s30 =	sshra.s32 s1, $0x2;
	s1 =	sadd.s32 $0x80, s1;
	[tilespmem:s28+$0xED00] =	vst v5;
	v5 =	vmax.f32 v4, $0.0e+00;
	v4 =	vld [tilespmem:s28+$0x9BC0]  }
0x74: {  	v6 =	vld [tilespmem:s30+$0x9BD0];
	[tilespmem:s28+$0xED10] =	vst v5;
	v0 =	vmax.f32 v0, $0.0e+00  }
0x75: {  	v5 =	vld [tilespmem:s30+$0x7000];
	[tilespmem:s28+$0xF340] =	vst v0;
	v0 =	vmax.f32 v1, $0.0e+00  }
0x76: {  	v1 =	vld [tilespmem:s30+$0x7010];
	[tilespmem:s28+$0xF350] =	vst v0;
	v0 =	vmax.f32 v2, $0.0e+00  }
0x77: {  	v2 =	vld [tilespmem:s30+$0x7640];
	[tilespmem:s28+$0xF980] =	vst v0;
	v0 =	vmax.f32 v3, $0.0e+00  }
0x78: {  	v3 =	vld [tilespmem:s30+$0x7650];
	[tilespmem:s28+$0xF990] =	vst v0;
	v0 =	vmax.f32 v4, $0.0e+00  }
0x79: {  	v4 =	vld [tilespmem:s30+$0x7C80];
	[tilespmem:s28+$0xFFC0] =	vst v0;
	v0 =	vmax.f32 v6, $0.0e+00  }
0x7a: {  	v6 =	vld [tilespmem:s30+$0x7C90];
	v5 =	vmax.f32 v5, $0.0e+00;
	[tilespmem:s30+$0xFFD0] =	vst v0  }
0x7b: {  	[tilespmem:s30+$0xD400] =	vst v5;
	v0 =	vmax.f32 v1, $0.0e+00;
	v1 =	vld [tilespmem:s30+$0x82C0]  }
0x7c: {  	[tilespmem:s30+$0xD410] =	vst v0;
	v0 =	vmax.f32 v2, $0.0e+00;
	v2 =	vld [tilespmem:s30+$0x82D0]  }
0x7d: {  	[tilespmem:s30+$0xDA40] =	vst v0;
	v0 =	vmax.f32 v3, $0.0e+00;
	v3 =	vld [tilespmem:s30+$0x8900]  }
0x7e: {  	[tilespmem:s30+$0xDA50] =	vst v0;
	v0 =	vmax.f32 v4, $0.0e+00;
	v4 =	vld [tilespmem:s30+$0x8910]  }
0x7f: {  	v5 =	vld [tilespmem:s30+$0x8F40];
	[tilespmem:s30+$0xE080] =	vst v0;
	v0 =	vmax.f32 v6, $0.0e+00  }
0x80: {  	[tilespmem:s30+$0xE090] =	vst v0;
	v0 =	vmax.f32 v1, $0.0e+00;
	v1 =	vld [tilespmem:s30+$0x8F50]  }
0x81: {  	[tilespmem:s30+$0xE6C0] =	vst v0;
	v0 =	vmax.f32 v2, $0.0e+00;
	v2 =	vld [tilespmem:s30+$0x9580]  }
0x82: {  	[tilespmem:s30+$0xE6D0] =	vst v0;
	v0 =	vmax.f32 v3, $0.0e+00;
	v3 =	vld [tilespmem:s30+$0x9590]  }
0x83: {  	[tilespmem:s30+$0xED00] =	vst v0;
	v0 =	vmax.f32 v4, $0.0e+00;
	v4 =	vld [tilespmem:s30+$0x9BC0]  }
0x84: {  	[tilespmem:s30+$0xED10] =	vst v0;
	v0 =	vmax.f32 v5, $0.0e+00  }
0x85: {  	s28 =	sshll.u32 s25, $0x4;
	[tilespmem:s30+$0xF340] =	vst v0;
	v0 =	vmax.f32 v1, $0.0e+00  }
0x86: {  	s1 =	sadd.s32 s4, s28;
	[tilespmem:s30+$0xF350] =	vst v0;
	v0 =	vmax.f32 v2, $0.0e+00  }
0x87: {  	s1 =	smul.u32 $0xC8, s1;
	[tilespmem:s30+$0xF980] =	vst v0;
	v0 =	vmax.f32 v3, $0.0e+00  }
0x88: {  	p1 =	seq.s32 s25, $0x1F;
	[tilespmem:s30+$0xF990] =	vst v0;
	v0 =	vmax.f32 v4, $0.0e+00  }
0x89: {  	s10 =	smul.u32 @!p1 $0xE00, s25;
	s1 =	sadd.s32 s2, s1;
	[tilespmem:s30+$0xFFC0] =	vst v0  }
0x8a: {  	[hbm4b:s1+s3] =	stream.linear.scatter [tilespmem:s19], [sflag:$0x3], $0x3200, $0x38;
	[tilespmem:$0x13800] =	vst v63  }
0x8b: {  	s1 =	sshra.s32 @!p1 s10, $0x2  }
0x8c: {  	s12 =	simm.s32 @!p1 $0x7000;
	s30 =	simm.s32 @!p1 $0x32;
	s10 =	sadd.s32 @!p1 $0x380, s1  }
0x8d: {  	[tilespmem:s12], [sflag:$0x1] =	stream.indirect.gather @!p1 [hbm4b:s5+s30], $0x20, s10, s30, $0xb8;
	[tilespmem:$0x13800] =	vst v63  }
0x8e: {  	s10 =	sadd.s32 @!p1 $0x3B8, s1;
	s12 =	simm.s32 @!p1 $0x7640  }
0x8f: {  	[tilespmem:s12], [sflag:$0x1] =	stream.indirect.gather @!p1 [hbm4b:s5+s30], $0x20, s10, s30, $0xb8;
	[tilespmem:$0x13800] =	vst v63  }
0x90: {  	s10 =	sadd.s32 @!p1 $0x3F0, s1;
	s12 =	simm.s32 @!p1 $0x7C80  }
0x91: {  	[tilespmem:s12], [sflag:$0x1] =	stream.indirect.gather @!p1 [hbm4b:s5+s30], $0x20, s10, s30, $0xb8;
	[tilespmem:$0x13800] =	vst v63  }
0x92: {  	s10 =	sadd.s32 @!p1 $0x428, s1;
	s12 =	simm.s32 @!p1 $0x82C0  }
0x93: {  	[tilespmem:s12], [sflag:$0x1] =	stream.indirect.gather @!p1 [hbm4b:s5+s30], $0x20, s10, s30, $0xb8;
	[tilespmem:$0x13800] =	vst v63  }
0x94: {  	s10 =	sadd.s32 @!p1 $0x460, s1;
	s12 =	simm.s32 @!p1 $0x8900  }
0x95: {  	[tilespmem:s12], [sflag:$0x1] =	stream.indirect.gather @!p1 [hbm4b:s5+s30], $0x20, s10, s30, $0xb8;
	[tilespmem:$0x13800] =	vst v63  }
0x96: {  	s10 =	sadd.s32 @!p1 $0x498, s1;
	s12 =	simm.s32 @!p1 $0x8F40  }
0x97: {  	[tilespmem:s12], [sflag:$0x1] =	stream.indirect.gather @!p1 [hbm4b:s5+s30], $0x20, s10, s30, $0xb8;
	[tilespmem:$0x13800] =	vst v63  }
0x98: {  	s10 =	sadd.s32 @!p1 $0x4D0, s1;
	s12 =	simm.s32 @!p1 $0x9580  }
0x99: {  	[tilespmem:s12], [sflag:$0x1] =	stream.indirect.gather @!p1 [hbm4b:s5+s30], $0x20, s10, s30, $0xb8;
	[tilespmem:$0x13800] =	vst v63  }
0x9a: {  	s1 =	sadd.s32 @!p1 $0x508, s1;
	s10 =	simm.s32 @!p1 $0x9BC0  }
0x9b: {  	[tilespmem:s10], [sflag:$0x1] =	stream.indirect.gather @!p1 [hbm4b:s5+s30], $0x20, s1, s30, $0xb8;
	[tilespmem:$0x13800] =	vst v63  }
0x9c: {  	_ =	swait.ge [sflag:s20], $0x640  }
0x9d: {  	[sflag:s20] =	ssyncset.done $0x0  }
0x9e: {  	[sflag:s20] =	ssyncadd.s32 $0xFFFFF9C0  }
0x9f: {  	_ =	swait.ge [sflag:s20], $0x640  }
0xa0: {  	[sflag:s20] =	ssyncset.done $0x0  }
0xa1: {  	[sflag:s20] =	ssyncadd.s32 $0xFFFFF9C0  }
0xa2: {  	_ =	swait.ge [sflag:s20], $0x640  }
0xa3: {  	[sflag:s20] =	ssyncset.done $0x0  }
0xa4: {  	[sflag:s20] =	ssyncadd.s32 $0xFFFFF9C0  }
0xa5: {  	_ =	swait.ge [sflag:s20], $0x640  }
0xa6: {  	[sflag:s20] =	ssyncset.done $0x0  }
0xa7: {  	[sflag:s20] =	ssyncadd.s32 $0xFFFFF9C0  }
0xa8: {  	_ =	swait.ge [sflag:s20], $0x640  }
0xa9: {  	[sflag:s20] =	ssyncset.done $0x0  }
0xaa: {  	[sflag:s20] =	ssyncadd.s32 $0xFFFFF9C0  }
0xab: {  	_ =	swait.ge [sflag:s20], $0x640  }
0xac: {  	[sflag:s20] =	ssyncset.done $0x0  }
0xad: {  	[sflag:s20] =	ssyncadd.s32 $0xFFFFF9C0  }
0xae: {  	_ =	swait.ge [sflag:s20], $0x640  }
0xaf: {  	[sflag:s20] =	ssyncset.done $0x0  }
0xb0: {  	[sflag:s20] =	ssyncadd.s32 $0xFFFFF9C0  }
0xb1: {  	_ =	swait.ge [sflag:s20], $0x640  }
0xb2: {  	[sflag:s20] =	ssyncset.done $0x0  }
0xb3: {  	s1 =	simm.s32 @!p0 $0x4;
	[sflag:s20] =	ssyncadd.s32 $0xFFFFF9C0  }
0xb4: {  	_ =	swait.ge @!p0 [sflag:s1], $0x3200  }
0xb5: {  	[sflag:s1] =	ssyncset.done @!p0 $0x0  }
0xb6: {  	s30 =	simm.s32 $0x0;
	[sflag:s1] =	ssyncadd.s32 @!p0 $0xFFFFCE00  }
0xb7: {  	v0 =	vld [tilespmem:s30+$0xCDD0]  }
0xb8: {  	v1 =	vld [tilespmem:s30+$0xA200]  }
0xb9: {  	v2 =	vld [tilespmem:s30+$0xA210]  }
0xba: {  	v3 =	vld [tilespmem:s30+$0xA840]  }
0xbb: {  	v4 =	vld [tilespmem:s30+$0xA850]  }
0xbc: {  	v5 =	vld [tilespmem:s30+$0xAE80];
	v0 =	vmax.f32 v0, $0.0e+00  }
0xbd: {  	v6 =	vld [tilespmem:s30+$0xAE90];
	v1 =	vmax.f32 v1, $0.0e+00;
	[tilespmem:s30+$0x131D0] =	vst v0  }
0xbe: {  	[tilespmem:s30+$0x10600] =	vst v1;
	v0 =	vmax.f32 v2, $0.0e+00;
	v1 =	vld [tilespmem:s30+$0xB4C0]  }
0xbf: {  	v2 =	vld [tilespmem:s30+$0xB4D0];
	[tilespmem:s30+$0x10610] =	vst v0;
	v0 =	vmax.f32 v3, $0.0e+00  }
0xc0: {  	v3 =	vld [tilespmem:s30+$0xBB00];
	[tilespmem:s30+$0x10C40] =	vst v0;
	v0 =	vmax.f32 v4, $0.0e+00  }
0xc1: {  	v4 =	vld [tilespmem:s30+$0xBB10];
	[tilespmem:s30+$0x10C50] =	vst v0;
	v0 =	vmax.f32 v5, $0.0e+00  }
0xc2: {  	v5 =	vmax.f32 v6, $0.0e+00;
	[tilespmem:s30+$0x11280] =	vst v0;
	v0 =	vld [tilespmem:s30+$0xC140]  }
0xc3: {  	[tilespmem:s30+$0x11290] =	vst v5;
	v5 =	vmax.f32 v1, $0.0e+00;
	v1 =	vld [tilespmem:s30+$0xC150]  }
0xc4: {  	[tilespmem:s30+$0x118C0] =	vst v5;
	v5 =	vmax.f32 v2, $0.0e+00;
	v2 =	vld [tilespmem:s30+$0xC780]  }
0xc5: {  	[tilespmem:s30+$0x118D0] =	vst v5;
	v5 =	vmax.f32 v3, $0.0e+00;
	v3 =	vld [tilespmem:s30+$0xC790]  }
0xc6: {  	s10 =	simm.s32 $0x100;
	s1 =	simm.s32 $0x20;
	[tilespmem:s30+$0x11F00] =	vst v5;
	v5 =	vmax.f32 v4, $0.0e+00;
	v4 =	vld [tilespmem:s30+$0xCDC0]  }
.LBB2_5:
0xc7: {  	p0 =	sne.s32 s10, $0x1880;
	v6 =	vld [tilespmem:s1+$0xCDD0];
	[tilespmem:s30+$0x11F10] =	vst v5;
	v0 =	vmax.f32 v0, $0.0e+00  }
0xc8: {  	v5 =	vld [tilespmem:s1+$0xA200];
	[tilespmem:s30+$0x12540] =	vst v0;
	v0 =	vmax.f32 v1, $0.0e+00  }
0xc9: {  	v1 =	vld [tilespmem:s1+$0xA210];
	[tilespmem:s30+$0x12550] =	vst v0;
	v0 =	vmax.f32 v2, $0.0e+00  }
0xca: {  	v2 =	vld [tilespmem:s1+$0xA840];
	[tilespmem:s30+$0x12B80] =	vst v0;
	v0 =	vmax.f32 v3, $0.0e+00  }
0xcb: {  	v3 =	vld [tilespmem:s1+$0xA850];
	[tilespmem:s30+$0x12B90] =	vst v0;
	v0 =	vmax.f32 v4, $0.0e+00  }
0xcc: {  	v4 =	vld [tilespmem:s1+$0xAE80];
	v6 =	vmax.f32 v6, $0.0e+00;
	[tilespmem:s30+$0x131C0] =	vst v0;
	s30 =	smov.u32 s1  }
0xcd: {  	v0 =	vmax.f32 v5, $0.0e+00;
	v5 =	vld [tilespmem:s30+$0xAE90];
	[tilespmem:s30+$0x131D0] =	vst v6  }
0xce: {  	[tilespmem:s30+$0x10600] =	vst v0;
	v0 =	vmax.f32 v1, $0.0e+00;
	v1 =	vld [tilespmem:s30+$0xB4C0]  }
0xcf: {  	[tilespmem:s30+$0x10610] =	vst v0;
	v0 =	vmax.f32 v2, $0.0e+00;
	v2 =	vld [tilespmem:s30+$0xB4D0]  }
0xd0: {  	[tilespmem:s30+$0x10C40] =	vst v0;
	v0 =	vmax.f32 v3, $0.0e+00;
	v3 =	vld [tilespmem:s30+$0xBB00]  }
0xd1: {  	[tilespmem:s30+$0x10C50] =	vst v0;
	v0 =	vmax.f32 v4, $0.0e+00;
	v4 =	vld [tilespmem:s30+$0xBB10]  }
.Ltmp3:
0xd2: {  	[tilespmem:s30+$0x11280] =	vst v0;
	v5 =	vmax.f32 v5, $0.0e+00;
	v0 =	vld [tilespmem:s30+$0xC140];
	(pc) =	sbr.rel @p0 .LBB2_5-.Ltmp3, $4  }
0xd3: {  	[tilespmem:s30+$0x11290] =	vst v5;
	v5 =	vmax.f32 v1, $0.0e+00;
	v1 =	vld [tilespmem:s30+$0xC150]  }
0xd4: {  	[tilespmem:s30+$0x118C0] =	vst v5;
	v5 =	vmax.f32 v2, $0.0e+00;
	v2 =	vld [tilespmem:s30+$0xC780]  }
0xd5: {  	[tilespmem:s30+$0x118D0] =	vst v5;
	v5 =	vmax.f32 v3, $0.0e+00;
	v3 =	vld [tilespmem:s30+$0xC790]  }
0xd6: {  	s1 =	sshra.s32 s10, $0x2;
	s10 =	sadd.s32 $0x80, s10;
	[tilespmem:s30+$0x11F00] =	vst v5;
	v5 =	vmax.f32 v4, $0.0e+00;
	v4 =	vld [tilespmem:s30+$0xCDC0]  }
0xd7: {  	v6 =	vld [tilespmem:s1+$0xCDD0];
	[tilespmem:s30+$0x11F10] =	vst v5;
	v0 =	vmax.f32 v0, $0.0e+00  }
0xd8: {  	v5 =	vld [tilespmem:s1+$0xA200];
	[tilespmem:s30+$0x12540] =	vst v0;
	v31 =	vmax.f32 v1, $0.0e+00  }
0xd9: {  	v32 =	vld [tilespmem:s1+$0xA210];
	[tilespmem:s30+$0x12550] =	vst v31;
	v33 =	vmax.f32 v2, $0.0e+00  }
0xda: {  	v34 =	vld [tilespmem:s1+$0xA840];
	[tilespmem:s30+$0x12B80] =	vst v33;
	v35 =	vmax.f32 v3, $0.0e+00  }
0xdb: {  	v36 =	vld [tilespmem:s1+$0xA850];
	[tilespmem:s30+$0x12B90] =	vst v35;
	v37 =	vmax.f32 v4, $0.0e+00  }
0xdc: {  	v38 =	vld [tilespmem:s1+$0xAE80];
	[tilespmem:s30+$0x131C0] =	vst v37;
	v39 =	vmax.f32 v6, $0.0e+00  }
0xdd: {  	v40 =	vld [tilespmem:s1+$0xAE90];
	v5 =	vmax.f32 v5, $0.0e+00;
	[tilespmem:s1+$0x131D0] =	vst v39  }
0xde: {  	v42 =	vld [tilespmem:s1+$0xB4C0];
	[tilespmem:s1+$0x10600] =	vst v5;
	v41 =	vmax.f32 v32, $0.0e+00  }
0xdf: {  	v44 =	vld [tilespmem:s1+$0xB4D0];
	[tilespmem:s1+$0x10610] =	vst v41;
	v43 =	vmax.f32 v34, $0.0e+00  }
0xe0: {  	v46 =	vld [tilespmem:s1+$0xBB00];
	[tilespmem:s1+$0x10C40] =	vst v43;
	v45 =	vmax.f32 v36, $0.0e+00  }
0xe1: {  	v48 =	vld [tilespmem:s1+$0xBB10];
	[tilespmem:s1+$0x10C50] =	vst v45;
	v47 =	vmax.f32 v38, $0.0e+00  }
0xe2: {  	v50 =	vld [tilespmem:s1+$0xC140];
	[tilespmem:s1+$0x11280] =	vst v47;
	v49 =	vmax.f32 v40, $0.0e+00  }
0xe3: {  	v52 =	vld [tilespmem:s1+$0xC150];
	v51 =	vmax.f32 v42, $0.0e+00;
	[tilespmem:s1+$0x11290] =	vst v49  }
0xe4: {  	v54 =	vld [tilespmem:s1+$0xC780];
	v53 =	vmax.f32 v44, $0.0e+00;
	[tilespmem:s1+$0x118C0] =	vst v51  }
0xe5: {  	v56 =	vld [tilespmem:s1+$0xC790];
	v55 =	vmax.f32 v46, $0.0e+00;
	[tilespmem:s1+$0x118D0] =	vst v53  }
0xe6: {  	v58 =	vld [tilespmem:s1+$0xCDC0];
	v57 =	vmax.f32 v48, $0.0e+00;
	[tilespmem:s1+$0x11F00] =	vst v55  }
0xe7: {  	s10 =	sadd.s32 s28, s4;
	v59 =	vmax.f32 v50, $0.0e+00;
	[tilespmem:s1+$0x11F10] =	vst v57  }
0xe8: {  	s10 =	smul.u32 $0xC8, s10;
	v60 =	vmax.f32 v52, $0.0e+00;
	[tilespmem:s1+$0x12540] =	vst v59  }
.Ltmp4:
0xe9: {  	v61 =	vmax.f32 v54, $0.0e+00;
	[tilespmem:s1+$0x12550] =	vst v60;
	(pc) =	sbr.rel @p1 .LBB2_8-.Ltmp4, $4  }
0xea: {  	v62 =	vmax.f32 v56, $0.0e+00;
	[tilespmem:s1+$0x12B80] =	vst v61  }
0xeb: {  	s10 =	sadd.s32 s2, s10;
	v63 =	vmax.f32 v58, $0.0e+00;
	[tilespmem:s1+$0x12B90] =	vst v62  }
0xec: {  	s30 =	sadd.s32 $0x640, s10;
	[tilespmem:s1+$0x131C0] =	vst v63  }
0xed: {  	[hbm4b:s30+s3] =	stream.linear.scatter [tilespmem:s21], [sflag:$0x4], $0x3200, $0x38;
	[tilespmem:$0x13800] =	vst v63  }
0xee: {  	s1 =	smul.u32 $0xE00, s25;
	_ =	sdelay $0x1  }
0xef: {  	s1 =	sshra.s32 s1, $0x2  }
0xf0: {  	s10 =	sadd.s32 $0x540, s1  }
0xf1: {  	[tilespmem:s26], [sflag:$0x2] =	stream.indirect.gather [hbm4b:s5+s9], $0x20, s10, s9, $0xb8;
	[tilespmem:$0x13800] =	vst v63  }
0xf2: {  	s12 =	sadd.s32 $0x578, s1  }
0xf3: {  	[tilespmem:s29], [sflag:$0x2] =	stream.indirect.gather [hbm4b:s5+s9], $0x20, s12, s9, $0xb8;
	[tilespmem:$0x13800] =	vst v63  }
0xf4: {  	s28 =	sadd.s32 $0x5B0, s1  }
0xf5: {  	[tilespmem:s31], [sflag:$0x2] =	stream.indirect.gather [hbm4b:s5+s9], $0x20, s28, s9, $0xb8;
	[tilespmem:$0x13800] =	vst v63  }
0xf6: {  	s30 =	sadd.s32 $0x5E8, s1  }
0xf7: {  	[tilespmem:s0], [sflag:$0x2] =	stream.indirect.gather [hbm4b:s5+s9], $0x20, s30, s9, $0xb8;
	[tilespmem:$0x13800] =	vst v63  }
0xf8: {  	s12 =	sadd.s32 $0x620, s1  }
0xf9: {  	[tilespmem:s11], [sflag:$0x2] =	stream.indirect.gather [hbm4b:s5+s9], $0x20, s12, s9, $0xb8;
	[tilespmem:$0x13800] =	vst v63  }
0xfa: {  	s28 =	sadd.s32 $0x658, s1  }
0xfb: {  	[tilespmem:s13], [sflag:$0x2] =	stream.indirect.gather [hbm4b:s5+s9], $0x20, s28, s9, $0xb8;
	[tilespmem:$0x13800] =	vst v63  }
.Ltmp5:
0xfc: {  	_ = 	snop;
	(pc) =	sbr.rel .LBB2_2-.Ltmp5, $4  }
0xfd: {  	s30 =	sadd.s32 $0x690, s1  }
0xfe: {  	[tilespmem:s15], [sflag:$0x2] =	stream.indirect.gather [hbm4b:s5+s9], $0x20, s30, s9, $0xb8;
	[tilespmem:$0x13800] =	vst v63  }
0xff: {  	s25 =	sadd.s32 $0x1, s25;
	s1 =	sadd.s32 $0x6C8, s1  }
0x100: {  	[tilespmem:s17], [sflag:$0x2] =	stream.indirect.gather [hbm4b:s5+s9], $0x20, s1, s9, $0xb8;
	[tilespmem:$0x13800] =	vst v63  }
.LBB2_9:
0x101: {  	_ =	sfence.sel $0x180000  }
0x102: {  	[bflag:$0x0] =	sbarrier.arrive $0xFFFF  }
0x103: {  	_ =	strace $0x90000047  }
0x104: {  	s0 =	stileid.u32;
	[bflag:$0x2] =	sbarrier.arrive $0xFFFF  }
0x105: {  	p0 =	sne.s32 s0, $0x0;
	s0 =	rddreg [dreg:$0x2]  }
0x106: {  	s0 =	sadd.s32 @!p0 $0x100000, s0  }
0x107: {  	[sflag:s0] =	ssyncadd.tile.s32 @!p0 $0x1;
	_ =	shalt  }
.Lfunc_end2:
_tile_overlayer_lowered:
.L_overlay_start_2:
0x108: {  	(tag) =	ssettag $0x2  }
0x109: {  	s0 =	rddreg [dreg:$0x0];
	s2 =	stileid.u32  }
0x10a: {  	s1 =	rddreg [dreg:$0x1];
	p0 =	sne.s32 s2, $0x0  }
0x10b: {  	s3 =	rddreg [dreg:$0x2];
	[bflag:$0x3] =	sbarrier.arrive $0xFFFF;
	s2 =	simm.s32 @!p0 $0x1C05  }
0x10c: {  	[timem:s3], [sflag:s2] =	dma.local @!p0 [hbm:s0], s1  }
0x10d: {  	s0 =	simm.s32 @!p0 $0x5  }
0x10e: {  	_ =	swait.ge @!p0 [sflag:s0], s1  }
0x10f: {  	s1 =	ssub.s32 @!p0 $0x0, s1;
	[sflag:s0] =	ssyncset.done @!p0 $0x0  }
0x110: {  	[sflag:s0] =	ssyncadd.s32 @!p0 s1  }
0x111: {  	[bflag:$0x3] =	sbarrier.arrive $0xFFFF  }
0x112: {  	_ =	shalt  }

// kernel: sparse-core-data-format-call.cloned.1.call-start
scs
called_computation_lowered:
.L_overlay_start_0:
0x0: {  	s2 =	sld [smem:$0x3FD9]  }
0x1: {  	s3 =	sld [smem:$0x3FFE];
	_ =	sdelay $0x1  }
0x2: {  	s1 =	srdreg.scid  }
0x3: {  	s0 =	sand.u32 $0x1, s1  }
0x4: {  	s18 =	sshll.u32 s0, $0xA;
	s2 =	sadd.s32 s3, s2  }
0x5: {  	s2 =	sadd.s32 s2, s18  }
0x6: {  	[smem:$0x3FC6] =	sst s2  }
0x7: {  	_ = 	snop  }
0x8: {  	s2 =	sld [smem:$0x3FD0];
	(tm) =	ssettm $0x1  }
0x9: {  	s19 =	sld [smem:$0x3FFB];
	_ =	sdelay $0x3  }
0xa: {  	_ =	strace s19  }
0xb: {  	s3 =	sld [smem:$0x3FFC];
	_ =	sdelay $0x3  }
0xc: {  	_ =	strace s3  }
0xd: {  	s3 =	sld [smem:$0x3FFD];
	_ =	sdelay $0x3  }
0xe: {  	_ =	strace s3  }
0xf: {  	_ =	strace $0x8FFFFFFF  }
0x10: {  	s20 =	sld [smem:$0x3FDB];
	_ =	sdelay $0x1  }
0x11: {  	s4 =	simm.s32 $_scs_section_size  }
0x12: {  	s5 =	simm.s32 $_size__tile_overlayer_lowered;
	s6 =	simm.s32 $_tile_overlayer_lowered  }
0x13: {  	s23 =	simm.s32 $0x1BFF;
	s22 =	sshll.u32 s6, $0x1;
	s3 =	sadd.s32 s4, s20  }
0x14: {  	s7 =	simm.s32 $0x0;
	s21 =	sshll.u32 s5, $0x1;
	s5 =	sadd.s32 s22, s3  }
0x15: {  	[timem:s7], [sflag:s23] =	dma.local [hbm:s5], s21  }
0x16: {  	_ =	swait.ge [sflag:s23], s21  }
0x17: {  	s4 =	ssub.s32 $0x0, s21;
	[sflag:s23] =	ssyncset.done $0x0  }
0x18: {  	[sflag:s23] =	ssyncadd.s32 s4;
	_ =	sdelay $0x1  }
0x19: {  	s24 =	simm.s32 $0x1B8B  }
0x1a: {  	_ =	swait.ge [sflag:s24], $0x1  }
0x1b: {  	[sflag:s24] =	ssyncset.done $0x0  }
0x1c: {  	s26 =	simm.s32 $0x1B8E;
	s25 =	sld [smem:$0x3FFE];
	[sflag:s24] =	ssyncadd.s32 $0xFFFFFFFF  }
0x1d: {  	s27 =	simm.s32 $execute0_lowered;
	[smem:$0x3FD2] =	sst s26  }
0x1e: {  	s5 =	sshll.u32 s27, $0x1;
	_ =	strace $0x80000049;
	[dreg:$0x1] =	wrdreg $0xFFFFFFFF  }
0x1f: {  	s28 =	simm.s32 $_size_execute0_lowered;
	s3 =	sadd.s32 s3, s5;
	[dreg:$0x0] =	wrdreg $0x0  }
0x20: {  	s5 =	sshll.u32 s28, $0x1;
	[dreg:$0x2] =	wrdreg s3  }
0x21: {  	[dreg:$0x3] =	wrdreg s5  }
0x22: {  	[dreg:$0x4] =	wrdreg $0xC0  }
0x23: {  	_ =	task [dreg:s7], $0x5FFFF  }
0x24: {  	[dreg:$0x1] =	wrdreg $0xFFFFFFFF  }
0x25: {  	[dreg:$0x0] =	wrdreg $0x60  }
0x26: {  	[dreg:$0x2] =	wrdreg s25  }
0x27: {  	[dreg:$0x3] =	wrdreg s2  }
0x28: {  	[dreg:$0x4] =	wrdreg $0x9  }
0x29: {  	_ =	task.clear_ibuf [dreg:s7], $0x5FFFF;
	_ =	strace $0x90000049  }
0x2a: {  	s29 =	simm.s32 $0x9;
	_ =	strace $0x8000004B  }
0x2b: {  	_ =	swait.ge [sflag:s29], $0x1  }
0x2c: {  	[sflag:s29] =	ssyncadd.s32 $0xFFFFFFFF  }
0x2d: {  	_ =	strace $0x9000004B  }
0x2e: {  	_ =	sfence  }
0x2f: {  	s30 =	sld [smem:$0x0];
	_ =	sdelay $0x2  }
0x30: {  	s31 =	sshll.u32 s1, $0xD;
	s1 =	sshrl.u32 s1, $0x2  }
0x31: {  	s3 =	sand.u32 $0x4000, s31;
	s1 =	sadd.s32 s1, s30  }
0x32: {  	s0 =	sor.u32 s3, s0;
	s1 =	sshll.u32 s1, $0x11  }
0x33: {  	s0 =	sor.u32 s1, s0  }
0x34: {  	s0 =	sadd.s32 $0x8F2B, s0  }
0x35: {  	[sflag:s0] =	ssyncadd.remote.s32 $0x1  }
0x36: {  	_ =	sfence.sel $0xFFFF  }
0x37: {  	[dreg:$0x0] =	wrdreg $0xFFFFFFFF;
	(pc) =	sbr.abs _section_cstart, $3  }
0x38: {  	[dreg:$0x1] =	wrdreg $0xFFFFFFFF  }
0x39: {  	_ =	task.clear_ibuf [dreg:s7], $0x2FFFF;
	_ =	strace $0x9FFFFFFF  }
0x3a: {  	(tm) =	ssettm $0x7FFFFFFF  }
0x3b: {  	_ =	shalt  }
tec
execute0_lowered:
.L_overlay_start_1:
0x0: {  	(tag) =	ssettag $0x1  }
0x1: {  	s0 =	srdreg.scid  }
0x2: {  	s1 =	sshll.u32 s0, $0x4  }
0x3: {  	s0 =	stileid.u32;
	s1 =	sand.u32 $0x10, s1  }
0x4: {  	s1 =	sor.u32 s0, s1  }
0x5: {  	s6 =	rddreg [dreg:$0x0];
	s4 =	simm.s32 $0x1;
	s2 =	sshll.u32 s1, $0x7  }
0x6: {  	s7 =	simm.s32 $0x2;
	s12 =	simm.s32 $0x0;
	s1 =	ssub.s32 $0x4000, s2  }
0x7: {  	s8 =	simm.s32 $0x20000;
	s13 =	simm.s32 $0x0;
	s3 =	sand.u32 $0xF80, s1  }
0x8: {  	s9 =	simm.s32 $0x0;
	s5 =	sshrl.u32 s1, $0xC;
	p0 =	sne.s32 s3, $0x0  }
.Ltmp0:
0x9: {  	s1 =	rddreg [dreg:$0x2];
	s4 =	simm.s32 @!p0 $0x0;
	(pc) =	sbr.rel .LBB1_1-.Ltmp0, $4  }
0xa: {  	s11 =	simm.s32 $0x0;
	s3 =	rddreg [dreg:$0x1];
	s5 =	sadd.s32 s4, s5  }
0xb: {  	_ =	strace $0x8000004A;
	s4 =	simm.s32 $0x1;
	s5 =	smul.u32 $0x32, s5  }
0xc: {  	s6 =	sadd.s32 $0xA00, s6;
	s10 =	smov.u32 s2;
	[sflag:s4] =	ssyncpa.u1 $0x0  }
0xd: {  	p0 =	por $0x0, $0x0;
	[sflag:s7] =	ssyncpa.u1 $0x0;
	s7 =	sor.u32 $0x1, s5  }
.LBB1_4:
0xe: {  	s16 =	sshll.u32 s13, $0x3;
	s17 =	sand.u32 $0x78, s13  }
0xf: {  	s30 =	sand.u32 $0xF800, s13;
	s12 =	sshll.u32 s12, $0x10;
	s16 =	sand.u32 $0x3C00, s16  }
0x10: {  	s31 =	sand.u32 $0x7, s13;
	s16 =	sor.u32 s17, s16;
	s17 =	sadd.s32 s3, s30  }
0x11: {  	s13 =	sshll.u32 s31, $0x12;
	s16 =	sshrl.u32 s16, $0x3;
	s12 =	sadd.s32 s12, s17  }
0x12: {  	[tilespmem:s15+$0x0 ss:$0x81] =	vst.msk $0xffff, v0;
	s13 =	sor.u32 $0x400, s13;
	s12 =	sadd.s32 s16, s12  }
0x13: {  	[hbm4b:s12+s13] =	stream.strided.scatter [tilespmem:s14], [sflag:$0x2], $0x1000, s8, s13, $0x20;
	[tilespmem:$0x4040] =	vst v63  }
.LBB1_5:
0x14: {  	s14 =	sadd.s32 $0x1, s9  }
0x15: {  	s12 =	sadd.s32 $0x1000, s10;
	s16 =	smov.u32 s10;
	p2 =	sgt.s32 s14, $0x31  }
0x16: {  	s16 =	smov.u32 @p2 s12  }
0x17: {  	s14 =	simm.s32 @p2 $0x0;
	p2 =	sgt.s32 s16, $0x3FFF  }
0x18: {  	s16 =	smov.u32 @p2 s2;
	p2 =	sne.s32 s11, s7  }
.Ltmp1:
0x19: {  	p1 =	slt.u32 s11, $0x2;
	(pc) =	sbr.rel @!p2 .LBB1_6-.Ltmp1, $4  }
0x1a: {  	s15 =	simm.s32 @!p1 $0x2  }
0x1b: {  	s13 =	smov.u32 s10;
	p0 =	por !p0, !p0;
	_ =	swait.ge @!p1 [sflag:s15], $0x1000  }
0x1c: {  	s12 =	smov.u32 s9;
	[sflag:s15] =	ssyncset.done @!p1 $0x0;
	s9 =	smov.u32 s14  }
0x1d: {  	s11 =	sadd.s32 $0x1, s11;
	[sflag:s15] =	ssyncadd.s32 @!p1 $0xFFFFF000;
	s10 =	smov.u32 s16  }
.LBB1_1:
0x1e: {  	p1 =	sge.u32 s11, s5  }
0x1f: {  	s14 =	sand.u32 @!p1 $0x1FFFFFF, s9  }
0x20: {  	s15 =	smulhi.u32 @!p1 $0x4924925, s14;
	_ =	sdelay $0x1  }
0x21: {  	s15 =	smul.u32 @!p1 $0x38, s15  }
0x22: {  	s16 =	sxor.u32 @!p1 $0xFFFFFFFF, s11;
	s17 =	smul.u32 @!p1 $0x380, s10  }
0x23: {  	s31 =	sadd.s32 $0xFFFFFFFF, s11;
	s16 =	sshll.u32 @!p1 s16, $0xC;
	s14 =	ssub.s32 @!p1 s14, s15  }
0x24: {  	s15 =	sand.u32 @!p1 $0x1000, s16;
	s16 =	sadd.s32 @!p1 s6, s17;
	s14 =	sshll.u32 @!p1 s14, $0x4  }
0x25: {  	s17 =	simm.s32 @!p1 $0x1C00;
	s14 =	sadd.s32 @!p1 s14, s16;
	s16 =	simm.s32 @!p1 $0x20  }
0x26: {  	[tilespmem:s15], [sflag:$0x1] =	stream.strided.gather @!p1 [hbm4b:s14+s16], $0x1000, s17, s16, $0x38;
	[tilespmem:$0x4040] =	vst v63  }
0x27: {  	p1 =	sge.u32 s31, s5  }
.Ltmp2:
0x28: {  	_ = 	snop;
	(pc) =	sbr.rel @p1 .LBB1_5-.Ltmp2, $1  }
0x29: {  	_ =	sdelay $0x3  }
0x2a: {  	s14 =	simm.s32 $0x1  }
0x2b: {  	_ =	swait.ge [sflag:s4], $0x1000;
	s14 =	simm.s32 @!p0 $0x0  }
0x2c: {  	[sflag:s4] =	ssyncset.done $0x0;
	s15 =	sshll.u32 s14, $0xC  }
0x2d: {  	[sflag:s4] =	ssyncadd.s32 $0xFFFFF000;
	s18 =	sor.u32 $0x10, s15  }
0x2e: {  	s14 =	smul.u32 $0x4080, s14;
	v1 =	vld [tilespmem:s18+$0x0]  }
0x2f: {  	s30 =	sand.u32 $0x1, s11;
	v0 =	vld [tilespmem:s18+$0xFFFFFFF0]  }
0x30: {  	s15 =	smul.u32 $0x4080, s30;
	s14 =	sshrl.u32 s14, $0x2  }
0x31: {  	s16 =	sor.u32 $0x2000, s14  }
0x32: {  	s31 =	sshrl.u32 s15, $0x2;
	s15 =	sadd.s32 $0x0, s16  }
0x33: {  	s17 =	simm.s32 $0x4;
	s18 =	sadd.s32 $0x20, s18;
	s14 =	sor.u32 $0x2000, s31;
	[tilespmem:s15+$0x810 ss:$0x81] =	vst.msk $0xffff, v1  }
.LBB1_3:
0x34: {  	v1 =	vld [tilespmem:s18+$0x0];
	p1 =	sne.s32 s17, $0x1FC;
	[tilespmem:s15+$0x0 ss:$0x81] =	vst.msk $0xffff, v0;
	s15 =	smov.u32 s17;
	s17 =	sadd.s32 $0x4, s17  }
.Ltmp3:
0x35: {  	v0 =	vld [tilespmem:s18+$0xFFFFFFF0];
	(pc) =	sbr.rel @p1 .LBB1_3-.Ltmp3, $4  }
0x36: {  	_ = 	snop  }
0x37: {  	s15 =	sshra.s32 s15, $0x2  }
0x38: {  	s15 =	sadd.s32 s15, s16  }
0x39: {  	s18 =	sadd.s32 $0x20, s18;
	[tilespmem:s15+$0x810 ss:$0x81] =	vst.msk $0xffff, v1  }
.Ltmp4:
0x3a: {  	_ = 	snop;
	(pc) =	sbr.rel .LBB1_4-.Ltmp4, $1  }
0x3b: {  	_ =	sdelay $0x3  }
.LBB1_6:
0x3c: {  	_ =	sfence.sel $0x180000  }
0x3d: {  	s2 =	simm.s32 $0x1;
	[bflag:$0x0] =	sbarrier.arrive $0xFFFF  }
0x3e: {  	s31 =	simm.s32 $0x2;
	[sflag:s2] =	ssyncpa.u1 $0x1  }
0x3f: {  	[sflag:s31] =	ssyncpa.u1 $0x1  }
0x40: {  	p0 =	sne.s32 s0, $0x0;
	_ =	strace $0x9000004A  }
0x41: {  	s0 =	sadd.s32 @!p0 $0x100000, s1;
	[bflag:$0x2] =	sbarrier.arrive $0xFFFF  }
0x42: {  	[sflag:s0] =	ssyncadd.tile.s32 @!p0 $0x1;
	_ =	shalt  }
.Lfunc_end1:
_tile_overlayer_lowered:
.L_overlay_start_2:
0x43: {  	(tag) =	ssettag $0x2  }
0x44: {  	s0 =	rddreg [dreg:$0x0];
	s2 =	stileid.u32  }
0x45: {  	s1 =	rddreg [dreg:$0x1];
	p0 =	sne.s32 s2, $0x0  }
0x46: {  	s3 =	rddreg [dreg:$0x2];
	[bflag:$0x3] =	sbarrier.arrive $0xFFFF;
	s2 =	simm.s32 @!p0 $0x1C01  }
0x47: {  	[timem:s3], [sflag:s2] =	dma.local @!p0 [hbm:s0], s1  }
0x48: {  	s0 =	simm.s32 @!p0 $0x1  }
0x49: {  	_ =	swait.ge @!p0 [sflag:s0], s1  }
0x4a: {  	s1 =	ssub.s32 @!p0 $0x0, s1;
	[sflag:s0] =	ssyncset.done @!p0 $0x0  }
0x4b: {  	[sflag:s0] =	ssyncadd.s32 @!p0 s1  }
0x4c: {  	[bflag:$0x3] =	sbarrier.arrive $0xFFFF  }
0x4d: {  	_ =	shalt  }

</sc_bundles>
